<compile_context>
chip_gen: v7x
topology: tpu7x:2x2x1
jax: 0.10.2.dev20260603
libtpu: 0.0.44.dev20260713+nightly
codegen_flags: <defaults>
</compile_context>

<pallas_src>
import jax
import jax.numpy as jnp
from jax import lax
from jax.experimental import pallas as pl
from jax.experimental.pallas import tpu as pltpu
from jax.experimental.pallas import tpu_sc as plsc

NC = 2
NS = 16
L = 16
NW = NC * NS

E = 320000
V = 10000
D = 128
EPW = E // NW
C = 80
NCHUNK = EPW // C
NPS = 640


def _tree_sum(vs):
    while len(vs) > 1:
        vs = [vs[k] + vs[k + 1] for k in range(0, len(vs) - 1, 2)] \
            + ([vs[-1]] if len(vs) % 2 else [])
    return vs[0]


def _edge_sq(sr, row):
    pr = [sr[row, pl.ds(j * L, L)] for j in range(D // L)]
    return _tree_sum([v * v for v in pr])


def _decoder_body(z_hbm, src_hbm, dst_hbm, out_hbm,
                  sidx, didx, outv, norms,
                  srows0, srows1, srows2, shnorm, sg0, sg1, sg2):
    sid = lax.axis_index("s")
    wid = sid * NC + lax.axis_index("c")
    base0 = wid * EPW
    lanes = lax.iota(jnp.int32, L)
    srows = (srows0, srows1, srows2)
    sg = (sg0, sg1, sg2)

    pltpu.sync_copy(src_hbm.at[pl.ds(base0, EPW)], sidx)
    pltpu.sync_copy(dst_hbm.at[pl.ds(base0, EPW)], didx)

    node0 = sid * NPS
    nmine = jnp.minimum(NPS, V - node0)
    zero = jnp.zeros((L,), jnp.float32)

    @pl.loop(0, nmine // L)
    def _nzero(i):
        norms[pl.ds(node0 + i * L, L)] = zero

    @pl.loop(0, nmine // C)
    def _nchunk(t):
        row0 = node0 + t * C
        pltpu.sync_copy(z_hbm.at[pl.ds(row0, C), :], srows0)

        @pl.loop(0, C)
        def _nrow(e):
            pr = [srows0[e, pl.ds(j * L, L)] for j in range(D // L)]
            pr = _tree_sum([v * v for v in pr])
            plsc.addupdate_scatter(
                norms, [jnp.full((L,), row0 + e, jnp.int32)], pr)

    pltpu.sync_copy(norms.at[pl.ds(node0, nmine)],
                    shnorm.at[pl.ds(node0, nmine)])
    plsc.subcore_barrier()
    pltpu.sync_copy(shnorm, norms)

    def issue1(c, p):
        pltpu.async_copy(z_hbm.at[sidx.at[pl.ds(c * C, C)]], srows[p], sg[p])

    def issue2(c, p):
        pltpu.async_copy(z_hbm.at[didx.at[pl.ds(c * C, C)]], srows[p], sg[p],
                         add=True)

    def wait(p):
        pltpu.make_async_copy(
            z_hbm.at[sidx.at[pl.ds(0, C)]], srows[p], sg[p]).wait()

    def compute(c, p):
        sr = srows[p]
        if True:
            outv[pl.ds(c * C, L)] = zero
            return

        @pl.loop(0, C // L)
        def _blk(b):
            out_base = c * C + b * L
            lo = lanes < (L // 2)
            for e in range(0, L, 2):
                pa = _edge_sq(sr, b * L + e)
                pb = _edge_sq(sr, b * L + e + 1)
                w = (jnp.where(lo, pa, jnp.flip(pb))
                     + jnp.where(lo, jnp.flip(pa), pb))
                idx = jnp.where(lo, out_base + e, out_base + e + 1)
                plsc.addupdate_scatter(outv, [idx], w)
            ns = plsc.load_gather(norms, [sidx[pl.ds(out_base, L)]])
            nd = plsc.load_gather(norms, [didx[pl.ds(out_base, L)]])
            val = 0.5 * (outv[pl.ds(out_base, L)] - ns - nd)
            outv[pl.ds(out_base, L)] = 1.0 / (1.0 + jnp.exp(-val))

    @pl.loop(0, EPW // L)
    def _zero(i):
        outv[pl.ds(i * L, L)] = zero

    issue1(0, 0)
    wait(0)
    issue2(0, 0)
    issue1(1, 1)

    def step(c, p):
        q = (p + 1) % 3
        r = (p + 2) % 3
        wait(q)
        issue2(c + 1, q)
        issue1(c + 2, r)
        wait(p)
        compute(c, p)

    @pl.loop(0, (NCHUNK - 2) // 3)
    def _trip(t):
        c0 = 3 * t
        step(c0, 0)
        step(c0 + 1, 1)
        step(c0 + 2, 2)

    ct = NCHUNK - 2
    pt = ct % 3
    qt = (pt + 1) % 3
    wait(qt)
    issue2(ct + 1, qt)
    wait(pt)
    compute(ct, pt)
    wait(qt)
    compute(ct + 1, qt)

    pltpu.sync_copy(outv, out_hbm.at[pl.ds(base0, EPW)])


@jax.jit
def _run(z, src, dst):
    mesh = plsc.VectorSubcoreMesh(
        core_axis_name="c", subcore_axis_name="s",
        num_cores=NC, num_subcores=NS)
    f = pl.kernel(
        _decoder_body,
        out_type=jax.ShapeDtypeStruct((E,), jnp.float32),
        mesh=mesh,
        scratch_types=[
            pltpu.VMEM((EPW,), jnp.int32),
            pltpu.VMEM((EPW,), jnp.int32),
            pltpu.VMEM((EPW,), jnp.float32),
            pltpu.VMEM((V,), jnp.float32),
            pltpu.VMEM((C, D), jnp.float32),
            pltpu.VMEM((C, D), jnp.float32),
            pltpu.VMEM((C, D), jnp.float32),
            pltpu.VMEM_SHARED((V,), jnp.float32),
            pltpu.SemaphoreType.DMA,
            pltpu.SemaphoreType.DMA,
            pltpu.SemaphoreType.DMA,
        ],
        compiler_params=pltpu.CompilerParams(needs_layout_passes=False),
    )
    return f(z, src, dst)


def kernel(z, edge_index):
    ei = edge_index.astype(jnp.int32)
    return _run(z, ei[0], ei[1])

# --- scband reference (transcript-rebuilt; emitter-appended) ---
"""Pipeline reference for scband-inner-product-decoder-29025388987327 (READ-ONLY COPY).

The authoritative reference and input builder live on the scoring server;
editing this copy changes nothing except your own understanding.
"""

import jax, jax.numpy as jnp
import numpy as np


def setup_inputs(seed: int = 0) -> dict:
    key = jax.random.key(seed)
    k1, k2 = jax.random.split(key)
    z = jax.random.normal(k1, (10000, 128), dtype=jnp.float32)
    edge_index = jax.random.randint(k2, (2, 320000), 0, 10000, dtype=jnp.int64)
    return {"z": z, "edge_index": edge_index}


def reference(z, edge_index):
    # Inner product decoder: dot product of source and destination node embeddings
    src = jnp.take(z, edge_index[0], axis=0)
    dst = jnp.take(z, edge_index[1], axis=0)
    value = jnp.sum(src * dst, axis=1)
    return jax.nn.sigmoid(value)

if __name__ == "__main__":
    import jax
    _d = setup_inputs()
    print(jax.jit(kernel)(*tuple(_d.values())))

</pallas_src>

<mosaic_0001>
#map = affine_map<(d0, d1) -> (0, 0)>
#map1 = affine_map<(d0, d1) -> (0)>
module attributes {stable_mosaic.version = 14 : i64} {
  func.func @_decoder_body(%arg0: i32, %arg1: i32, %arg2: memref<10000x128xf32, #tpu.memory_space<hbm>>, %arg3: memref<320000xi32, #tpu.memory_space<hbm>>, %arg4: memref<320000xi32, #tpu.memory_space<hbm>>, %arg5: memref<320000xf32, #tpu.memory_space<hbm>>, %arg6: memref<10000xi32, #tpu.memory_space<vmem>>, %arg7: memref<10000xi32, #tpu.memory_space<vmem>>, %arg8: memref<10000xf32, #tpu.memory_space<vmem>>, %arg9: memref<10000xf32, #tpu.memory_space<vmem>>, %arg10: memref<80x128xf32, #tpu.memory_space<vmem>>, %arg11: memref<80x128xf32, #tpu.memory_space<vmem>>, %arg12: memref<80x128xf32, #tpu.memory_space<vmem>>, %arg13: memref<10000xf32, #tpu.memory_space<vmem_shared>>, %arg14: memref<!tpu.dma_semaphore, #tpu.memory_space<semaphore_mem>>, %arg15: memref<!tpu.dma_semaphore, #tpu.memory_space<semaphore_mem>>, %arg16: memref<!tpu.dma_semaphore, #tpu.memory_space<semaphore_mem>>) attributes {dimension_semantics = [#tpu.dimension_semantics<core_parallel>, #tpu.dimension_semantics<subcore_parallel>], iteration_bounds = array<i64: 2, 16>, scalar_prefetch = 0 : i64, scratch_operands = 11 : i64, tpu.core_type = #tpu.core_type<sc_vector_subcore>, window_params = [{transform_indices = #map}, {transform_indices = #map1}, {transform_indices = #map1}, {transform_indices = #map1}]} {
    %mul3A = arith.constant 2 : i32
    %mul3A_0 = arith.muli %arg1, %mul3A : i32
    %add3A = arith.addi %mul3A_0, %arg0 : i32
    %mul3A_1 = arith.constant 10000 : i32
    %mul3A_2 = arith.muli %add3A, %mul3A_1 : i32
    %iota3A = tpu.iota {dimensions = array<i32: 0>} : vector<16xi32>
    "tpu.region"() ({
      %run_scoped3A = tpu.sem_alloc : memref<!tpu.dma_semaphore, #tpu.memory_space<semaphore_mem>>
      %dma_start3A_136 = tpu.memref_slice %arg3[%mul3A_2] : memref<320000xi32, #tpu.memory_space<hbm>> -> memref<10000xi32, #tpu.memory_space<hbm>>
      %dma_start3A_137 = tpu.memref_slice %arg3[%mul3A_2] : memref<320000xi32, #tpu.memory_space<hbm>> -> memref<10000xi32, #tpu.memory_space<hbm>>
      tpu.enqueue_dma source(%dma_start3A_137 : memref<10000xi32, #tpu.memory_space<hbm>>) target(%arg6 : memref<10000xi32, #tpu.memory_space<vmem>>) target_semaphore(%run_scoped3A : memref<!tpu.dma_semaphore, #tpu.memory_space<semaphore_mem>>)
      %dma_wait3A_138 = tpu.memref_slice %arg3[%mul3A_2] : memref<320000xi32, #tpu.memory_space<hbm>> -> memref<10000xi32, #tpu.memory_space<hbm>>
      %dma_wait3A_139 = tpu.memref_slice %arg3[%mul3A_2] : memref<320000xi32, #tpu.memory_space<hbm>> -> memref<10000xi32, #tpu.memory_space<hbm>>
      tpu.wait_dma2 semaphore(%run_scoped3A : memref<!tpu.dma_semaphore, #tpu.memory_space<semaphore_mem>>) src(%dma_wait3A_139 : memref<10000xi32, #tpu.memory_space<hbm>>) dst(%arg6 : memref<10000xi32, #tpu.memory_space<vmem>>)
      tpu.yield
    }) : () -> ()
    "tpu.region"() ({
      %run_scoped3A = tpu.sem_alloc : memref<!tpu.dma_semaphore, #tpu.memory_space<semaphore_mem>>
      %dma_start3A_136 = tpu.memref_slice %arg4[%mul3A_2] : memref<320000xi32, #tpu.memory_space<hbm>> -> memref<10000xi32, #tpu.memory_space<hbm>>
      %dma_start3A_137 = tpu.memref_slice %arg4[%mul3A_2] : memref<320000xi32, #tpu.memory_space<hbm>> -> memref<10000xi32, #tpu.memory_space<hbm>>
      tpu.enqueue_dma source(%dma_start3A_137 : memref<10000xi32, #tpu.memory_space<hbm>>) target(%arg7 : memref<10000xi32, #tpu.memory_space<vmem>>) target_semaphore(%run_scoped3A : memref<!tpu.dma_semaphore, #tpu.memory_space<semaphore_mem>>)
      %dma_wait3A_138 = tpu.memref_slice %arg4[%mul3A_2] : memref<320000xi32, #tpu.memory_space<hbm>> -> memref<10000xi32, #tpu.memory_space<hbm>>
      %dma_wait3A_139 = tpu.memref_slice %arg4[%mul3A_2] : memref<320000xi32, #tpu.memory_space<hbm>> -> memref<10000xi32, #tpu.memory_space<hbm>>
      tpu.wait_dma2 semaphore(%run_scoped3A : memref<!tpu.dma_semaphore, #tpu.memory_space<semaphore_mem>>) src(%dma_wait3A_139 : memref<10000xi32, #tpu.memory_space<hbm>>) dst(%arg7 : memref<10000xi32, #tpu.memory_space<vmem>>)
      tpu.yield
    }) : () -> ()
    %mul3A_3 = arith.constant 640 : i32
    %mul3A_4 = arith.muli %arg1, %mul3A_3 : i32
    %sub3A = arith.constant 10000 : i32
    %sub3A_5 = arith.subi %sub3A, %mul3A_4 : i32
    %min3A = arith.constant 640 : i32
    %min3A_6 = arith.minsi %min3A, %sub3A_5 : i32
    %broadcast_in_dim3A = arith.constant 0.000000e+00 : f32
    %broadcast_in_dim3A_7 = vector.broadcast %broadcast_in_dim3A : f32 to vector<16xf32>
    %jit3A = arith.constant 16 : i32
    %div3A = arith.divsi %min3A_6, %jit3A : i32
    %sign3A = arith.constant 0 : i32
    %sign3A_8 = arith.cmpi sgt, %min3A_6, %sign3A : i32
    %sign3A_9 = arith.extui %sign3A_8 : i1 to i32
    %sign3A_10 = arith.constant 0 : i32
    %sign3A_11 = arith.cmpi slt, %min3A_6, %sign3A_10 : i32
    %sign3A_12 = arith.extui %sign3A_11 : i1 to i32
    %sign3A_13 = arith.subi %sign3A_9, %sign3A_12 : i32
    %sign3A_14 = arith.constant 0 : i32
    %sign3A_15 = arith.cmpi sgt, %jit3A, %sign3A_14 : i32
    %sign3A_16 = arith.extui %sign3A_15 : i1 to i32
    %sign3A_17 = arith.constant 0 : i32
    %sign3A_18 = arith.cmpi slt, %jit3A, %sign3A_17 : i32
    %sign3A_19 = arith.extui %sign3A_18 : i1 to i32
    %sign3A_20 = arith.subi %sign3A_16, %sign3A_19 : i32
    %ne3A = arith.cmpi ne, %sign3A_13, %sign3A_20 : i32
    %rem3A = arith.remsi %min3A_6, %jit3A : i32
    %ne3A_21 = arith.constant 0 : i32
    %ne3A_22 = arith.cmpi ne, %rem3A, %ne3A_21 : i32
    %and3A = arith.andi %ne3A, %ne3A_22 : i1
    %sub3A_23 = arith.constant 1 : i32
    %sub3A_24 = arith.subi %div3A, %sub3A_23 : i32
    %select_n3A = arith.select %and3A, %sub3A_24, %div3A : i32
    %sub3A_25 = arith.constant 0 : i32
    %sub3A_26 = arith.subi %select_n3A, %sub3A_25 : i32
    %sub3A_27 = arith.constant 1 : i32
    %sub3A_28 = arith.constant 1 : i32
    %sub3A_29 = arith.subi %sub3A_27, %sub3A_28 : i32
    %add3A_30 = arith.addi %sub3A_26, %sub3A_29 : i32
    %div3A_31 = arith.constant 1 : i32
    %div3A_32 = arith.divsi %add3A_30, %div3A_31 : i32
    %while3A = arith.constant 1 : i32
    %while3A_33 = arith.constant 0 : i32
    %while3A_34 = arith.constant 0 : i32
    %while3A_35 = arith.subi %div3A_32, %while3A_34 : i32
    %while3A_36 = arith.addi %while3A_34, %while3A_35 : i32
    %while3A_37 = arith.constant 1 : i32
    %while3A_38 = arith.divsi %while3A_35, %while3A_37 : i32
    %while3A_39 = arith.muli %while3A_38, %while3A_37 : i32
    %while3A_40 = arith.addi %while3A_34, %while3A_39 : i32
    %while3A_41 = arith.constant 1 : i32
    scf.for %while3A_136 = %while3A_34 to %while3A_40 step %while3A_41  : i32 {
      %mul3A_137 = arith.muli %while3A_136, %while3A : i32
      %add3A_138 = arith.addi %while3A_33, %mul3A_137 : i32
      %mul3A_139 = arith.constant 16 : i32
      %mul3A_140 = arith.muli %add3A_138, %mul3A_139 : i32
      %add3A_141 = arith.addi %mul3A_4, %mul3A_140 : i32
      %swap3A_142 = arith.index_cast %add3A_141 : i32 to index
      %swap3A_143 = tpu.vector_load %arg9[%swap3A_142] {strides = array<i32>} : memref<10000xf32, #tpu.memory_space<vmem>>, vector<16xf32>,
      tpu.vector_store %arg9[%swap3A_142], %broadcast_in_dim3A_7 {strides = array<i32>} : memref<10000xf32, #tpu.memory_space<vmem>>, vector<16xf32>,
    }
    %while3A_42 = arith.constant 1 : i32
    scf.for %while3A_136 = %while3A_40 to %while3A_36 step %while3A_42  : i32 {
      %mul3A_137 = arith.muli %while3A_136, %while3A : i32
      %add3A_138 = arith.addi %while3A_33, %mul3A_137 : i32
      %mul3A_139 = arith.constant 16 : i32
      %mul3A_140 = arith.muli %add3A_138, %mul3A_139 : i32
      %add3A_141 = arith.addi %mul3A_4, %mul3A_140 : i32
      %swap3A_142 = arith.index_cast %add3A_141 : i32 to index
      %swap3A_143 = tpu.vector_load %arg9[%swap3A_142] {strides = array<i32>} : memref<10000xf32, #tpu.memory_space<vmem>>, vector<16xf32>,
      tpu.vector_store %arg9[%swap3A_142], %broadcast_in_dim3A_7 {strides = array<i32>} : memref<10000xf32, #tpu.memory_space<vmem>>, vector<16xf32>,
    }
    %jit3A_43 = arith.constant 80 : i32
    %div3A_44 = arith.divsi %min3A_6, %jit3A_43 : i32
    %sign3A_45 = arith.constant 0 : i32
    %sign3A_46 = arith.cmpi sgt, %min3A_6, %sign3A_45 : i32
    %sign3A_47 = arith.extui %sign3A_46 : i1 to i32
    %sign3A_48 = arith.constant 0 : i32
    %sign3A_49 = arith.cmpi slt, %min3A_6, %sign3A_48 : i32
    %sign3A_50 = arith.extui %sign3A_49 : i1 to i32
    %sign3A_51 = arith.subi %sign3A_47, %sign3A_50 : i32
    %sign3A_52 = arith.constant 0 : i32
    %sign3A_53 = arith.cmpi sgt, %jit3A_43, %sign3A_52 : i32
    %sign3A_54 = arith.extui %sign3A_53 : i1 to i32
    %sign3A_55 = arith.constant 0 : i32
    %sign3A_56 = arith.cmpi slt, %jit3A_43, %sign3A_55 : i32
    %sign3A_57 = arith.extui %sign3A_56 : i1 to i32
    %sign3A_58 = arith.subi %sign3A_54, %sign3A_57 : i32
    %ne3A_59 = arith.cmpi ne, %sign3A_51, %sign3A_58 : i32
    %rem3A_60 = arith.remsi %min3A_6, %jit3A_43 : i32
    %ne3A_61 = arith.constant 0 : i32
    %ne3A_62 = arith.cmpi ne, %rem3A_60, %ne3A_61 : i32
    %and3A_63 = arith.andi %ne3A_59, %ne3A_62 : i1
    %sub3A_64 = arith.constant 1 : i32
    %sub3A_65 = arith.subi %div3A_44, %sub3A_64 : i32
    %select_n3A_66 = arith.select %and3A_63, %sub3A_65, %div3A_44 : i32
    %sub3A_67 = arith.constant 0 : i32
    %sub3A_68 = arith.subi %select_n3A_66, %sub3A_67 : i32
    %sub3A_69 = arith.constant 1 : i32
    %sub3A_70 = arith.constant 1 : i32
    %sub3A_71 = arith.subi %sub3A_69, %sub3A_70 : i32
    %add3A_72 = arith.addi %sub3A_68, %sub3A_71 : i32
    %div3A_73 = arith.constant 1 : i32
    %div3A_74 = arith.divsi %add3A_72, %div3A_73 : i32
    %while3A_75 = arith.constant 1 : i32
    %while3A_76 = arith.constant 0 : i32
    %while3A_77 = arith.constant 0 : i32
    %while3A_78 = arith.subi %div3A_74, %while3A_77 : i32
    %while3A_79 = arith.addi %while3A_77, %while3A_78 : i32
    %while3A_80 = arith.constant 1 : i32
    %while3A_81 = arith.divsi %while3A_78, %while3A_80 : i32
    %while3A_82 = arith.muli %while3A_81, %while3A_80 : i32
    %while3A_83 = arith.addi %while3A_77, %while3A_82 : i32
    %while3A_84 = arith.constant 1 : i32
    scf.for %while3A_136 = %while3A_77 to %while3A_83 step %while3A_84  : i32 {
      %mul3A_137 = arith.muli %while3A_136, %while3A_75 : i32
      %add3A_138 = arith.addi %while3A_76, %mul3A_137 : i32
      %mul3A_139 = arith.constant 80 : i32
      %mul3A_140 = arith.muli %add3A_138, %mul3A_139 : i32
      %add3A_141 = arith.addi %mul3A_4, %mul3A_140 : i32
      "tpu.region"() ({
        %run_scoped3A = tpu.sem_alloc : memref<!tpu.dma_semaphore, #tpu.memory_space<semaphore_mem>>
        %dma_start3A_147 = arith.constant 0 : i32
        %dma_start3A_148 = tpu.memref_slice %arg2[%add3A_141, %dma_start3A_147] : memref<10000x128xf32, #tpu.memory_space<hbm>> -> memref<80x128xf32, #tpu.memory_space<hbm>>
        %dma_start3A_149 = arith.constant 0 : i32
        %dma_start3A_150 = tpu.memref_slice %arg2[%add3A_141, %dma_start3A_149] : memref<10000x128xf32, #tpu.memory_space<hbm>> -> memref<80x128xf32, #tpu.memory_space<hbm>>
        tpu.enqueue_dma source(%dma_start3A_150 : memref<80x128xf32, #tpu.memory_space<hbm>>) target(%arg10 : memref<80x128xf32, #tpu.memory_space<vmem>>) target_semaphore(%run_scoped3A : memref<!tpu.dma_semaphore, #tpu.memory_space<semaphore_mem>>)
        %dma_wait3A_151 = arith.constant 0 : i32
        %dma_wait3A_152 = tpu.memref_slice %arg2[%add3A_141, %dma_wait3A_151] : memref<10000x128xf32, #tpu.memory_space<hbm>> -> memref<80x128xf32, #tpu.memory_space<hbm>>
        %dma_wait3A_153 = arith.constant 0 : i32
        %dma_wait3A_154 = tpu.memref_slice %arg2[%add3A_141, %dma_wait3A_153] : memref<10000x128xf32, #tpu.memory_space<hbm>> -> memref<80x128xf32, #tpu.memory_space<hbm>>
        tpu.wait_dma2 semaphore(%run_scoped3A : memref<!tpu.dma_semaphore, #tpu.memory_space<semaphore_mem>>) src(%dma_wait3A_154 : memref<80x128xf32, #tpu.memory_space<hbm>>) dst(%arg10 : memref<80x128xf32, #tpu.memory_space<vmem>>)
        tpu.yield
      }) : () -> ()
      %scan3A_142 = arith.constant 0 : i32
      %scan3A_143 = arith.constant 80 : i32
      %scan3A_144 = arith.addi %scan3A_142, %scan3A_143 : i32
      %scan3A_145 = arith.constant 1 : i32
      scf.for %scan3A_147 = %scan3A_142 to %scan3A_144 step %scan3A_145  : i32 {
        %mul3A_148 = arith.constant 1 : i32
        %mul3A_149 = arith.muli %scan3A_147, %mul3A_148 : i32
        %add3A_150 = arith.constant 0 : i32
        %add3A_151 = arith.addi %add3A_150, %mul3A_149 : i32
        %get3A = arith.index_cast %add3A_151 : i32 to index
        %get3A_152 = arith.constant 0 : index
        %get3A_153 = tpu.vector_load %arg10[%get3A, %get3A_152] {strides = array<i32>} : memref<80x128xf32, #tpu.memory_space<vmem>>, vector<16xf32>,
        %get3A_154 = arith.index_cast %add3A_151 : i32 to index
        %get3A_155 = arith.constant 16 : index
        %get3A_156 = tpu.vector_load %arg10[%get3A_154, %get3A_155] {strides = array<i32>} : memref<80x128xf32, #tpu.memory_space<vmem>>, vector<16xf32>,
        %get3A_157 = arith.index_cast %add3A_151 : i32 to index
        %get3A_158 = arith.constant 32 : index
        %get3A_159 = tpu.vector_load %arg10[%get3A_157, %get3A_158] {strides = array<i32>} : memref<80x128xf32, #tpu.memory_space<vmem>>, vector<16xf32>,
        %get3A_160 = arith.index_cast %add3A_151 : i32 to index
        %get3A_161 = arith.constant 48 : index
        %get3A_162 = tpu.vector_load %arg10[%get3A_160, %get3A_161] {strides = array<i32>} : memref<80x128xf32, #tpu.memory_space<vmem>>, vector<16xf32>,
        %get3A_163 = arith.index_cast %add3A_151 : i32 to index
        %get3A_164 = arith.constant 64 : index
        %get3A_165 = tpu.vector_load %arg10[%get3A_163, %get3A_164] {strides = array<i32>} : memref<80x128xf32, #tpu.memory_space<vmem>>, vector<16xf32>,
        %get3A_166 = arith.index_cast %add3A_151 : i32 to index
        %get3A_167 = arith.constant 80 : index
        %get3A_168 = tpu.vector_load %arg10[%get3A_166, %get3A_167] {strides = array<i32>} : memref<80x128xf32, #tpu.memory_space<vmem>>, vector<16xf32>,
        %get3A_169 = arith.index_cast %add3A_151 : i32 to index
        %get3A_170 = arith.constant 96 : index
        %get3A_171 = tpu.vector_load %arg10[%get3A_169, %get3A_170] {strides = array<i32>} : memref<80x128xf32, #tpu.memory_space<vmem>>, vector<16xf32>,
        %get3A_172 = arith.index_cast %add3A_151 : i32 to index
        %get3A_173 = arith.constant 112 : index
        %get3A_174 = tpu.vector_load %arg10[%get3A_172, %get3A_173] {strides = array<i32>} : memref<80x128xf32, #tpu.memory_space<vmem>>, vector<16xf32>,
        %mul3A_175 = arith.mulf %get3A_153, %get3A_153 : vector<16xf32>
        %mul3A_176 = arith.mulf %get3A_156, %get3A_156 : vector<16xf32>
        %mul3A_177 = arith.mulf %get3A_159, %get3A_159 : vector<16xf32>
        %mul3A_178 = arith.mulf %get3A_162, %get3A_162 : vector<16xf32>
        %mul3A_179 = arith.mulf %get3A_165, %get3A_165 : vector<16xf32>
        %mul3A_180 = arith.mulf %get3A_168, %get3A_168 : vector<16xf32>
        %mul3A_181 = arith.mulf %get3A_171, %get3A_171 : vector<16xf32>
        %mul3A_182 = arith.mulf %get3A_174, %get3A_174 : vector<16xf32>
        %add3A_183 = arith.addf %mul3A_175, %mul3A_176 : vector<16xf32>
        %add3A_184 = arith.addf %mul3A_177, %mul3A_178 : vector<16xf32>
        %add3A_185 = arith.addf %mul3A_179, %mul3A_180 : vector<16xf32>
        %add3A_186 = arith.addf %mul3A_181, %mul3A_182 : vector<16xf32>
        %add3A_187 = arith.addf %add3A_183, %add3A_184 : vector<16xf32>
        %add3A_188 = arith.addf %add3A_185, %add3A_186 : vector<16xf32>
        %add3A_189 = arith.addf %add3A_187, %add3A_188 : vector<16xf32>
        %add3A_190 = arith.addi %add3A_141, %add3A_151 : i32
        %broadcast_in_dim3A_191 = vector.broadcast %add3A_190 : i32 to vector<16xi32>
        tpu.vector_store_idx %arg9[%broadcast_in_dim3A_191], %add3A_189 {add = true} : memref<10000xf32, #tpu.memory_space<vmem>>[vector<16xi32>], vector<16xf32>,
      }
      %scan3A_146 = arith.constant 80 : i32
    }
    %while3A_85 = arith.constant 1 : i32
    scf.for %while3A_136 = %while3A_83 to %while3A_79 step %while3A_85  : i32 {
      %mul3A_137 = arith.muli %while3A_136, %while3A_75 : i32
      %add3A_138 = arith.addi %while3A_76, %mul3A_137 : i32
      %mul3A_139 = arith.constant 80 : i32
      %mul3A_140 = arith.muli %add3A_138, %mul3A_139 : i32
      %add3A_141 = arith.addi %mul3A_4, %mul3A_140 : i32
      "tpu.region"() ({
        %run_scoped3A = tpu.sem_alloc : memref<!tpu.dma_semaphore, #tpu.memory_space<semaphore_mem>>
        %dma_start3A_147 = arith.constant 0 : i32
        %dma_start3A_148 = tpu.memref_slice %arg2[%add3A_141, %dma_start3A_147] : memref<10000x128xf32, #tpu.memory_space<hbm>> -> memref<80x128xf32, #tpu.memory_space<hbm>>
        %dma_start3A_149 = arith.constant 0 : i32
        %dma_start3A_150 = tpu.memref_slice %arg2[%add3A_141, %dma_start3A_149] : memref<10000x128xf32, #tpu.memory_space<hbm>> -> memref<80x128xf32, #tpu.memory_space<hbm>>
        tpu.enqueue_dma source(%dma_start3A_150 : memref<80x128xf32, #tpu.memory_space<hbm>>) target(%arg10 : memref<80x128xf32, #tpu.memory_space<vmem>>) target_semaphore(%run_scoped3A : memref<!tpu.dma_semaphore, #tpu.memory_space<semaphore_mem>>)
        %dma_wait3A_151 = arith.constant 0 : i32
        %dma_wait3A_152 = tpu.memref_slice %arg2[%add3A_141, %dma_wait3A_151] : memref<10000x128xf32, #tpu.memory_space<hbm>> -> memref<80x128xf32, #tpu.memory_space<hbm>>
        %dma_wait3A_153 = arith.constant 0 : i32
        %dma_wait3A_154 = tpu.memref_slice %arg2[%add3A_141, %dma_wait3A_153] : memref<10000x128xf32, #tpu.memory_space<hbm>> -> memref<80x128xf32, #tpu.memory_space<hbm>>
        tpu.wait_dma2 semaphore(%run_scoped3A : memref<!tpu.dma_semaphore, #tpu.memory_space<semaphore_mem>>) src(%dma_wait3A_154 : memref<80x128xf32, #tpu.memory_space<hbm>>) dst(%arg10 : memref<80x128xf32, #tpu.memory_space<vmem>>)
        tpu.yield
      }) : () -> ()
      %scan3A_142 = arith.constant 0 : i32
      %scan3A_143 = arith.constant 80 : i32
      %scan3A_144 = arith.addi %scan3A_142, %scan3A_143 : i32
      %scan3A_145 = arith.constant 1 : i32
      scf.for %scan3A_147 = %scan3A_142 to %scan3A_144 step %scan3A_145  : i32 {
        %mul3A_148 = arith.constant 1 : i32
        %mul3A_149 = arith.muli %scan3A_147, %mul3A_148 : i32
        %add3A_150 = arith.constant 0 : i32
        %add3A_151 = arith.addi %add3A_150, %mul3A_149 : i32
        %get3A = arith.index_cast %add3A_151 : i32 to index
        %get3A_152 = arith.constant 0 : index
        %get3A_153 = tpu.vector_load %arg10[%get3A, %get3A_152] {strides = array<i32>} : memref<80x128xf32, #tpu.memory_space<vmem>>, vector<16xf32>,
        %get3A_154 = arith.index_cast %add3A_151 : i32 to index
        %get3A_155 = arith.constant 16 : index
        %get3A_156 = tpu.vector_load %arg10[%get3A_154, %get3A_155] {strides = array<i32>} : memref<80x128xf32, #tpu.memory_space<vmem>>, vector<16xf32>,
        %get3A_157 = arith.index_cast %add3A_151 : i32 to index
        %get3A_158 = arith.constant 32 : index
        %get3A_159 = tpu.vector_load %arg10[%get3A_157, %get3A_158] {strides = array<i32>} : memref<80x128xf32, #tpu.memory_space<vmem>>, vector<16xf32>,
        %get3A_160 = arith.index_cast %add3A_151 : i32 to index
        %get3A_161 = arith.constant 48 : index
        %get3A_162 = tpu.vector_load %arg10[%get3A_160, %get3A_161] {strides = array<i32>} : memref<80x128xf32, #tpu.memory_space<vmem>>, vector<16xf32>,
        %get3A_163 = arith.index_cast %add3A_151 : i32 to index
        %get3A_164 = arith.constant 64 : index
        %get3A_165 = tpu.vector_load %arg10[%get3A_163, %get3A_164] {strides = array<i32>} : memref<80x128xf32, #tpu.memory_space<vmem>>, vector<16xf32>,
        %get3A_166 = arith.index_cast %add3A_151 : i32 to index
        %get3A_167 = arith.constant 80 : index
        %get3A_168 = tpu.vector_load %arg10[%get3A_166, %get3A_167] {strides = array<i32>} : memref<80x128xf32, #tpu.memory_space<vmem>>, vector<16xf32>,
        %get3A_169 = arith.index_cast %add3A_151 : i32 to index
        %get3A_170 = arith.constant 96 : index
        %get3A_171 = tpu.vector_load %arg10[%get3A_169, %get3A_170] {strides = array<i32>} : memref<80x128xf32, #tpu.memory_space<vmem>>, vector<16xf32>,
        %get3A_172 = arith.index_cast %add3A_151 : i32 to index
        %get3A_173 = arith.constant 112 : index
        %get3A_174 = tpu.vector_load %arg10[%get3A_172, %get3A_173] {strides = array<i32>} : memref<80x128xf32, #tpu.memory_space<vmem>>, vector<16xf32>,
        %mul3A_175 = arith.mulf %get3A_153, %get3A_153 : vector<16xf32>
        %mul3A_176 = arith.mulf %get3A_156, %get3A_156 : vector<16xf32>
        %mul3A_177 = arith.mulf %get3A_159, %get3A_159 : vector<16xf32>
        %mul3A_178 = arith.mulf %get3A_162, %get3A_162 : vector<16xf32>
        %mul3A_179 = arith.mulf %get3A_165, %get3A_165 : vector<16xf32>
        %mul3A_180 = arith.mulf %get3A_168, %get3A_168 : vector<16xf32>
        %mul3A_181 = arith.mulf %get3A_171, %get3A_171 : vector<16xf32>
        %mul3A_182 = arith.mulf %get3A_174, %get3A_174 : vector<16xf32>
        %add3A_183 = arith.addf %mul3A_175, %mul3A_176 : vector<16xf32>
        %add3A_184 = arith.addf %mul3A_177, %mul3A_178 : vector<16xf32>
        %add3A_185 = arith.addf %mul3A_179, %mul3A_180 : vector<16xf32>
        %add3A_186 = arith.addf %mul3A_181, %mul3A_182 : vector<16xf32>
        %add3A_187 = arith.addf %add3A_183, %add3A_184 : vector<16xf32>
        %add3A_188 = arith.addf %add3A_185, %add3A_186 : vector<16xf32>
        %add3A_189 = arith.addf %add3A_187, %add3A_188 : vector<16xf32>
        %add3A_190 = arith.addi %add3A_141, %add3A_151 : i32
        %broadcast_in_dim3A_191 = vector.broadcast %add3A_190 : i32 to vector<16xi32>
        tpu.vector_store_idx %arg9[%broadcast_in_dim3A_191], %add3A_189 {add = true} : memref<10000xf32, #tpu.memory_space<vmem>>[vector<16xi32>], vector<16xf32>,
      }
      %scan3A_146 = arith.constant 80 : i32
    }
    "tpu.region"() ({
      %run_scoped3A = tpu.sem_alloc : memref<!tpu.dma_semaphore, #tpu.memory_space<semaphore_mem>>
      %dma_start3A_136 = tpu.memref_slice %arg9[%mul3A_4] <%min3A_6> : memref<10000xf32, #tpu.memory_space<vmem>> -> memref<?xf32, #tpu.memory_space<vmem>>
      %dma_start3A_137 = tpu.memref_slice %arg13[%mul3A_4] <%min3A_6> : memref<10000xf32, #tpu.memory_space<vmem_shared>> -> memref<?xf32, #tpu.memory_space<vmem_shared>>
      %dma_start3A_138 = tpu.memref_slice %arg13[%mul3A_4] <%min3A_6> : memref<10000xf32, #tpu.memory_space<vmem_shared>> -> memref<?xf32, #tpu.memory_space<vmem_shared>>
      %dma_start3A_139 = tpu.memref_slice %arg9[%mul3A_4] <%min3A_6> : memref<10000xf32, #tpu.memory_space<vmem>> -> memref<?xf32, #tpu.memory_space<vmem>>
      tpu.enqueue_dma source(%dma_start3A_139 : memref<?xf32, #tpu.memory_space<vmem>>) target(%dma_start3A_138 : memref<?xf32, #tpu.memory_space<vmem_shared>>) target_semaphore(%run_scoped3A : memref<!tpu.dma_semaphore, #tpu.memory_space<semaphore_mem>>)
      %dma_wait3A_140 = tpu.memref_slice %arg9[%mul3A_4] <%min3A_6> : memref<10000xf32, #tpu.memory_space<vmem>> -> memref<?xf32, #tpu.memory_space<vmem>>
      %dma_wait3A_141 = tpu.memref_slice %arg13[%mul3A_4] <%min3A_6> : memref<10000xf32, #tpu.memory_space<vmem_shared>> -> memref<?xf32, #tpu.memory_space<vmem_shared>>
      %dma_wait3A_142 = tpu.memref_slice %arg13[%mul3A_4] <%min3A_6> : memref<10000xf32, #tpu.memory_space<vmem_shared>> -> memref<?xf32, #tpu.memory_space<vmem_shared>>
      %dma_wait3A_143 = tpu.memref_slice %arg9[%mul3A_4] <%min3A_6> : memref<10000xf32, #tpu.memory_space<vmem>> -> memref<?xf32, #tpu.memory_space<vmem>>
      tpu.wait_dma2 semaphore(%run_scoped3A : memref<!tpu.dma_semaphore, #tpu.memory_space<semaphore_mem>>) src(%dma_wait3A_143 : memref<?xf32, #tpu.memory_space<vmem>>) dst(%dma_wait3A_142 : memref<?xf32, #tpu.memory_space<vmem_shared>>)
      tpu.yield
    }) : () -> ()
    %barrier3A = arith.constant 0 : index
    tpu.barrier barrier_id(%barrier3A)
    "tpu.region"() ({
      %run_scoped3A = tpu.sem_alloc : memref<!tpu.dma_semaphore, #tpu.memory_space<semaphore_mem>>
      tpu.enqueue_dma source(%arg13 : memref<10000xf32, #tpu.memory_space<vmem_shared>>) target(%arg9 : memref<10000xf32, #tpu.memory_space<vmem>>) target_semaphore(%run_scoped3A : memref<!tpu.dma_semaphore, #tpu.memory_space<semaphore_mem>>)
      tpu.wait_dma2 semaphore(%run_scoped3A : memref<!tpu.dma_semaphore, #tpu.memory_space<semaphore_mem>>) src(%arg13 : memref<10000xf32, #tpu.memory_space<vmem_shared>>) dst(%arg9 : memref<10000xf32, #tpu.memory_space<vmem>>)
      tpu.yield
    }) : () -> ()
    %scan3A = arith.constant 0 : i32
    %scan3A_86 = arith.constant 625 : i32
    %scan3A_87 = arith.addi %scan3A, %scan3A_86 : i32
    %scan3A_88 = arith.constant 1 : i32
    scf.for %scan3A_136 = %scan3A to %scan3A_87 step %scan3A_88  : i32 {
      %mul3A_137 = arith.constant 1 : i32
      %mul3A_138 = arith.muli %scan3A_136, %mul3A_137 : i32
      %add3A_139 = arith.constant 0 : i32
      %add3A_140 = arith.addi %add3A_139, %mul3A_138 : i32
      %mul3A_141 = arith.constant 16 : i32
      %mul3A_142 = arith.muli %add3A_140, %mul3A_141 : i32
      %swap3A_143 = arith.index_cast %mul3A_142 : i32 to index
      %swap3A_144 = tpu.vector_load %arg8[%swap3A_143] {strides = array<i32>} : memref<10000xf32, #tpu.memory_space<vmem>>, vector<16xf32>,
      tpu.vector_store %arg8[%swap3A_143], %broadcast_in_dim3A_7 {strides = array<i32>} : memref<10000xf32, #tpu.memory_space<vmem>>, vector<16xf32>,
    }
    %scan3A_89 = arith.constant 625 : i32
    %dma_start3A = arith.constant 0 : i32
    %dma_start3A_90 = tpu.memref_slice %arg6[%dma_start3A] : memref<10000xi32, #tpu.memory_space<vmem>> -> memref<80xi32, #tpu.memory_space<vmem>>
    %dma_start3A_91 = arith.constant 0 : i32
    %dma_start3A_92 = arith.constant 0 : i32
    %dma_start3A_93 = tpu.memref_slice %arg2[%dma_start3A_91, %dma_start3A_92] : memref<10000x128xf32, #tpu.memory_space<hbm>> -> memref<10000x128xf32, #tpu.memory_space<hbm>>
    tpu.enqueue_indirect_dma source(%dma_start3A_93 : memref<10000x128xf32, #tpu.memory_space<hbm>>) target(%arg10 : memref<80x128xf32, #tpu.memory_space<vmem>>) offsets(%dma_start3A_90 : memref<80xi32, #tpu.memory_space<vmem>>) semaphore(%arg14 : memref<!tpu.dma_semaphore, #tpu.memory_space<semaphore_mem>>)
    %dma_wait3A = arith.constant 0 : i32
    %dma_wait3A_94 = tpu.memref_slice %arg6[%dma_wait3A] : memref<10000xi32, #tpu.memory_space<vmem>> -> memref<80xi32, #tpu.memory_space<vmem>>
    %dma_wait3A_95 = arith.constant 0 : i32
    %dma_wait3A_96 = arith.constant 0 : i32
    %dma_wait3A_97 = tpu.memref_slice %arg2[%dma_wait3A_95, %dma_wait3A_96] : memref<10000x128xf32, #tpu.memory_space<hbm>> -> memref<10000x128xf32, #tpu.memory_space<hbm>>
    tpu.wait_indirect_dma semaphore(%arg14 : memref<!tpu.dma_semaphore, #tpu.memory_space<semaphore_mem>>) src(%dma_wait3A_97 : memref<10000x128xf32, #tpu.memory_space<hbm>>) dst(%arg10 : memref<80x128xf32, #tpu.memory_space<vmem>>)
    %dma_start3A_98 = arith.constant 0 : i32
    %dma_start3A_99 = tpu.memref_slice %arg7[%dma_start3A_98] : memref<10000xi32, #tpu.memory_space<vmem>> -> memref<80xi32, #tpu.memory_space<vmem>>
    %dma_start3A_100 = arith.constant 0 : i32
    %dma_start3A_101 = arith.constant 0 : i32
    %dma_start3A_102 = tpu.memref_slice %arg2[%dma_start3A_100, %dma_start3A_101] : memref<10000x128xf32, #tpu.memory_space<hbm>> -> memref<10000x128xf32, #tpu.memory_space<hbm>>
    tpu.enqueue_indirect_dma source(%dma_start3A_102 : memref<10000x128xf32, #tpu.memory_space<hbm>>) target(%arg10 : memref<80x128xf32, #tpu.memory_space<vmem>>) offsets(%dma_start3A_99 : memref<80xi32, #tpu.memory_space<vmem>>) semaphore(%arg14 : memref<!tpu.dma_semaphore, #tpu.memory_space<semaphore_mem>>) {add = true}
    %dma_start3A_103 = arith.constant 80 : i32
    %dma_start3A_104 = tpu.memref_slice %arg6[%dma_start3A_103] : memref<10000xi32, #tpu.memory_space<vmem>> -> memref<80xi32, #tpu.memory_space<vmem>>
    %dma_start3A_105 = arith.constant 0 : i32
    %dma_start3A_106 = arith.constant 0 : i32
    %dma_start3A_107 = tpu.memref_slice %arg2[%dma_start3A_105, %dma_start3A_106] : memref<10000x128xf32, #tpu.memory_space<hbm>> -> memref<10000x128xf32, #tpu.memory_space<hbm>>
    tpu.enqueue_indirect_dma source(%dma_start3A_107 : memref<10000x128xf32, #tpu.memory_space<hbm>>) target(%arg11 : memref<80x128xf32, #tpu.memory_space<vmem>>) offsets(%dma_start3A_104 : memref<80xi32, #tpu.memory_space<vmem>>) semaphore(%arg15 : memref<!tpu.dma_semaphore, #tpu.memory_space<semaphore_mem>>)
    %scan3A_108 = arith.constant 0 : i32
    %scan3A_109 = arith.constant 41 : i32
    %scan3A_110 = arith.addi %scan3A_108, %scan3A_109 : i32
    %scan3A_111 = arith.constant 1 : i32
    scf.for %scan3A_136 = %scan3A_108 to %scan3A_110 step %scan3A_111  : i32 {
      %mul3A_137 = arith.constant 1 : i32
      %mul3A_138 = arith.muli %scan3A_136, %mul3A_137 : i32
      %add3A_139 = arith.constant 0 : i32
      %add3A_140 = arith.addi %add3A_139, %mul3A_138 : i32
      %mul3A_141 = arith.constant 3 : i32
      %mul3A_142 = arith.muli %mul3A_141, %add3A_140 : i32
      %dma_wait3A_143 = arith.constant 0 : i32
      %dma_wait3A_144 = tpu.memref_slice %arg6[%dma_wait3A_143] : memref<10000xi32, #tpu.memory_space<vmem>> -> memref<80xi32, #tpu.memory_space<vmem>>
      %dma_wait3A_145 = arith.constant 0 : i32
      %dma_wait3A_146 = arith.constant 0 : i32
      %dma_wait3A_147 = tpu.memref_slice %arg2[%dma_wait3A_145, %dma_wait3A_146] : memref<10000x128xf32, #tpu.memory_space<hbm>> -> memref<10000x128xf32, #tpu.memory_space<hbm>>
      tpu.wait_indirect_dma semaphore(%arg15 : memref<!tpu.dma_semaphore, #tpu.memory_space<semaphore_mem>>) src(%dma_wait3A_147 : memref<10000x128xf32, #tpu.memory_space<hbm>>) dst(%arg11 : memref<80x128xf32, #tpu.memory_space<vmem>>)
      %add3A_148 = arith.constant 1 : i32
      %add3A_149 = arith.addi %mul3A_142, %add3A_148 : i32
      %mul3A_150 = arith.constant 80 : i32
      %mul3A_151 = arith.muli %add3A_149, %mul3A_150 : i32
      %dma_start3A_152 = tpu.memref_slice %arg7[%mul3A_151] : memref<10000xi32, #tpu.memory_space<vmem>> -> memref<80xi32, #tpu.memory_space<vmem>>
      %dma_start3A_153 = arith.constant 0 : i32
      %dma_start3A_154 = arith.constant 0 : i32
      %dma_start3A_155 = tpu.memref_slice %arg2[%dma_start3A_153, %dma_start3A_154] : memref<10000x128xf32, #tpu.memory_space<hbm>> -> memref<10000x128xf32, #tpu.memory_space<hbm>>
      tpu.enqueue_indirect_dma source(%dma_start3A_155 : memref<10000x128xf32, #tpu.memory_space<hbm>>) target(%arg11 : memref<80x128xf32, #tpu.memory_space<vmem>>) offsets(%dma_start3A_152 : memref<80xi32, #tpu.memory_space<vmem>>) semaphore(%arg15 : memref<!tpu.dma_semaphore, #tpu.memory_space<semaphore_mem>>) {add = true}
      %add3A_156 = arith.constant 2 : i32
      %add3A_157 = arith.addi %mul3A_142, %add3A_156 : i32
      %mul3A_158 = arith.constant 80 : i32
      %mul3A_159 = arith.muli %add3A_157, %mul3A_158 : i32
      %dma_start3A_160 = tpu.memref_slice %arg6[%mul3A_159] : memref<10000xi32, #tpu.memory_space<vmem>> -> memref<80xi32, #tpu.memory_space<vmem>>
      %dma_start3A_161 = arith.constant 0 : i32
      %dma_start3A_162 = arith.constant 0 : i32
      %dma_start3A_163 = tpu.memref_slice %arg2[%dma_start3A_161, %dma_start3A_162] : memref<10000x128xf32, #tpu.memory_space<hbm>> -> memref<10000x128xf32, #tpu.memory_space<hbm>>
      tpu.enqueue_indirect_dma source(%dma_start3A_163 : memref<10000x128xf32, #tpu.memory_space<hbm>>) target(%arg12 : memref<80x128xf32, #tpu.memory_space<vmem>>) offsets(%dma_start3A_160 : memref<80xi32, #tpu.memory_space<vmem>>) semaphore(%arg16 : memref<!tpu.dma_semaphore, #tpu.memory_space<semaphore_mem>>)
      %dma_wait3A_164 = arith.constant 0 : i32
      %dma_wait3A_165 = tpu.memref_slice %arg6[%dma_wait3A_164] : memref<10000xi32, #tpu.memory_space<vmem>> -> memref<80xi32, #tpu.memory_space<vmem>>
      %dma_wait3A_166 = arith.constant 0 : i32
      %dma_wait3A_167 = arith.constant 0 : i32
      %dma_wait3A_168 = tpu.memref_slice %arg2[%dma_wait3A_166, %dma_wait3A_167] : memref<10000x128xf32, #tpu.memory_space<hbm>> -> memref<10000x128xf32, #tpu.memory_space<hbm>>
      tpu.wait_indirect_dma semaphore(%arg14 : memref<!tpu.dma_semaphore, #tpu.memory_space<semaphore_mem>>) src(%dma_wait3A_168 : memref<10000x128xf32, #tpu.memory_space<hbm>>) dst(%arg10 : memref<80x128xf32, #tpu.memory_space<vmem>>)
      %mul3A_169 = arith.constant 80 : i32
      %mul3A_170 = arith.muli %mul3A_142, %mul3A_169 : i32
      %swap3A_171 = arith.index_cast %mul3A_170 : i32 to index
      %swap3A_172 = tpu.vector_load %arg8[%swap3A_171] {strides = array<i32>} : memref<10000xf32, #tpu.memory_space<vmem>>, vector<16xf32>,
      tpu.vector_store %arg8[%swap3A_171], %broadcast_in_dim3A_7 {strides = array<i32>} : memref<10000xf32, #tpu.memory_space<vmem>>, vector<16xf32>,
      %add3A_173 = arith.constant 1 : i32
      %add3A_174 = arith.addi %mul3A_142, %add3A_173 : i32
      %dma_wait3A_175 = arith.constant 0 : i32
      %dma_wait3A_176 = tpu.memref_slice %arg6[%dma_wait3A_175] : memref<10000xi32, #tpu.memory_space<vmem>> -> memref<80xi32, #tpu.memory_space<vmem>>
      %dma_wait3A_177 = arith.constant 0 : i32
      %dma_wait3A_178 = arith.constant 0 : i32
      %dma_wait3A_179 = tpu.memref_slice %arg2[%dma_wait3A_177, %dma_wait3A_178] : memref<10000x128xf32, #tpu.memory_space<hbm>> -> memref<10000x128xf32, #tpu.memory_space<hbm>>
      tpu.wait_indirect_dma semaphore(%arg16 : memref<!tpu.dma_semaphore, #tpu.memory_space<semaphore_mem>>) src(%dma_wait3A_179 : memref<10000x128xf32, #tpu.memory_space<hbm>>) dst(%arg12 : memref<80x128xf32, #tpu.memory_space<vmem>>)
      %add3A_180 = arith.constant 1 : i32
      %add3A_181 = arith.addi %add3A_174, %add3A_180 : i32
      %mul3A_182 = arith.constant 80 : i32
      %mul3A_183 = arith.muli %add3A_181, %mul3A_182 : i32
      %dma_start3A_184 = tpu.memref_slice %arg7[%mul3A_183] : memref<10000xi32, #tpu.memory_space<vmem>> -> memref<80xi32, #tpu.memory_space<vmem>>
      %dma_start3A_185 = arith.constant 0 : i32
      %dma_start3A_186 = arith.constant 0 : i32
      %dma_start3A_187 = tpu.memref_slice %arg2[%dma_start3A_185, %dma_start3A_186] : memref<10000x128xf32, #tpu.memory_space<hbm>> -> memref<10000x128xf32, #tpu.memory_space<hbm>>
      tpu.enqueue_indirect_dma source(%dma_start3A_187 : memref<10000x128xf32, #tpu.memory_space<hbm>>) target(%arg12 : memref<80x128xf32, #tpu.memory_space<vmem>>) offsets(%dma_start3A_184 : memref<80xi32, #tpu.memory_space<vmem>>) semaphore(%arg16 : memref<!tpu.dma_semaphore, #tpu.memory_space<semaphore_mem>>) {add = true}
      %add3A_188 = arith.constant 2 : i32
      %add3A_189 = arith.addi %add3A_174, %add3A_188 : i32
      %mul3A_190 = arith.constant 80 : i32
      %mul3A_191 = arith.muli %add3A_189, %mul3A_190 : i32
      %dma_start3A_192 = tpu.memref_slice %arg6[%mul3A_191] : memref<10000xi32, #tpu.memory_space<vmem>> -> memref<80xi32, #tpu.memory_space<vmem>>
      %dma_start3A_193 = arith.constant 0 : i32
      %dma_start3A_194 = arith.constant 0 : i32
      %dma_start3A_195 = tpu.memref_slice %arg2[%dma_start3A_193, %dma_start3A_194] : memref<10000x128xf32, #tpu.memory_space<hbm>> -> memref<10000x128xf32, #tpu.memory_space<hbm>>
      tpu.enqueue_indirect_dma source(%dma_start3A_195 : memref<10000x128xf32, #tpu.memory_space<hbm>>) target(%arg10 : memref<80x128xf32, #tpu.memory_space<vmem>>) offsets(%dma_start3A_192 : memref<80xi32, #tpu.memory_space<vmem>>) semaphore(%arg14 : memref<!tpu.dma_semaphore, #tpu.memory_space<semaphore_mem>>)
      %dma_wait3A_196 = arith.constant 0 : i32
      %dma_wait3A_197 = tpu.memref_slice %arg6[%dma_wait3A_196] : memref<10000xi32, #tpu.memory_space<vmem>> -> memref<80xi32, #tpu.memory_space<vmem>>
      %dma_wait3A_198 = arith.constant 0 : i32
      %dma_wait3A_199 = arith.constant 0 : i32
      %dma_wait3A_200 = tpu.memref_slice %arg2[%dma_wait3A_198, %dma_wait3A_199] : memref<10000x128xf32, #tpu.memory_space<hbm>> -> memref<10000x128xf32, #tpu.memory_space<hbm>>
      tpu.wait_indirect_dma semaphore(%arg15 : memref<!tpu.dma_semaphore, #tpu.memory_space<semaphore_mem>>) src(%dma_wait3A_200 : memref<10000x128xf32, #tpu.memory_space<hbm>>) dst(%arg11 : memref<80x128xf32, #tpu.memory_space<vmem>>)
      %mul3A_201 = arith.constant 80 : i32
      %mul3A_202 = arith.muli %add3A_174, %mul3A_201 : i32
      %swap3A_203 = arith.index_cast %mul3A_202 : i32 to index
      %swap3A_204 = tpu.vector_load %arg8[%swap3A_203] {strides = array<i32>} : memref<10000xf32, #tpu.memory_space<vmem>>, vector<16xf32>,
      tpu.vector_store %arg8[%swap3A_203], %broadcast_in_dim3A_7 {strides = array<i32>} : memref<10000xf32, #tpu.memory_space<vmem>>, vector<16xf32>,
      %add3A_205 = arith.constant 2 : i32
      %add3A_206 = arith.addi %mul3A_142, %add3A_205 : i32
      %dma_wait3A_207 = arith.constant 0 : i32
      %dma_wait3A_208 = tpu.memref_slice %arg6[%dma_wait3A_207] : memref<10000xi32, #tpu.memory_space<vmem>> -> memref<80xi32, #tpu.memory_space<vmem>>
      %dma_wait3A_209 = arith.constant 0 : i32
      %dma_wait3A_210 = arith.constant 0 : i32
      %dma_wait3A_211 = tpu.memref_slice %arg2[%dma_wait3A_209, %dma_wait3A_210] : memref<10000x128xf32, #tpu.memory_space<hbm>> -> memref<10000x128xf32, #tpu.memory_space<hbm>>
      tpu.wait_indirect_dma semaphore(%arg14 : memref<!tpu.dma_semaphore, #tpu.memory_space<semaphore_mem>>) src(%dma_wait3A_211 : memref<10000x128xf32, #tpu.memory_space<hbm>>) dst(%arg10 : memref<80x128xf32, #tpu.memory_space<vmem>>)
      %add3A_212 = arith.constant 1 : i32
      %add3A_213 = arith.addi %add3A_206, %add3A_212 : i32
      %mul3A_214 = arith.constant 80 : i32
      %mul3A_215 = arith.muli %add3A_213, %mul3A_214 : i32
      %dma_start3A_216 = tpu.memref_slice %arg7[%mul3A_215] : memref<10000xi32, #tpu.memory_space<vmem>> -> memref<80xi32, #tpu.memory_space<vmem>>
      %dma_start3A_217 = arith.constant 0 : i32
      %dma_start3A_218 = arith.constant 0 : i32
      %dma_start3A_219 = tpu.memref_slice %arg2[%dma_start3A_217, %dma_start3A_218] : memref<10000x128xf32, #tpu.memory_space<hbm>> -> memref<10000x128xf32, #tpu.memory_space<hbm>>
      tpu.enqueue_indirect_dma source(%dma_start3A_219 : memref<10000x128xf32, #tpu.memory_space<hbm>>) target(%arg10 : memref<80x128xf32, #tpu.memory_space<vmem>>) offsets(%dma_start3A_216 : memref<80xi32, #tpu.memory_space<vmem>>) semaphore(%arg14 : memref<!tpu.dma_semaphore, #tpu.memory_space<semaphore_mem>>) {add = true}
      %add3A_220 = arith.constant 2 : i32
      %add3A_221 = arith.addi %add3A_206, %add3A_220 : i32
      %mul3A_222 = arith.constant 80 : i32
      %mul3A_223 = arith.muli %add3A_221, %mul3A_222 : i32
      %dma_start3A_224 = tpu.memref_slice %arg6[%mul3A_223] : memref<10000xi32, #tpu.memory_space<vmem>> -> memref<80xi32, #tpu.memory_space<vmem>>
      %dma_start3A_225 = arith.constant 0 : i32
      %dma_start3A_226 = arith.constant 0 : i32
      %dma_start3A_227 = tpu.memref_slice %arg2[%dma_start3A_225, %dma_start3A_226] : memref<10000x128xf32, #tpu.memory_space<hbm>> -> memref<10000x128xf32, #tpu.memory_space<hbm>>
      tpu.enqueue_indirect_dma source(%dma_start3A_227 : memref<10000x128xf32, #tpu.memory_space<hbm>>) target(%arg11 : memref<80x128xf32, #tpu.memory_space<vmem>>) offsets(%dma_start3A_224 : memref<80xi32, #tpu.memory_space<vmem>>) semaphore(%arg15 : memref<!tpu.dma_semaphore, #tpu.memory_space<semaphore_mem>>)
      %dma_wait3A_228 = arith.constant 0 : i32
      %dma_wait3A_229 = tpu.memref_slice %arg6[%dma_wait3A_228] : memref<10000xi32, #tpu.memory_space<vmem>> -> memref<80xi32, #tpu.memory_space<vmem>>
      %dma_wait3A_230 = arith.constant 0 : i32
      %dma_wait3A_231 = arith.constant 0 : i32
      %dma_wait3A_232 = tpu.memref_slice %arg2[%dma_wait3A_230, %dma_wait3A_231] : memref<10000x128xf32, #tpu.memory_space<hbm>> -> memref<10000x128xf32, #tpu.memory_space<hbm>>
      tpu.wait_indirect_dma semaphore(%arg16 : memref<!tpu.dma_semaphore, #tpu.memory_space<semaphore_mem>>) src(%dma_wait3A_232 : memref<10000x128xf32, #tpu.memory_space<hbm>>) dst(%arg12 : memref<80x128xf32, #tpu.memory_space<vmem>>)
      %mul3A_233 = arith.constant 80 : i32
      %mul3A_234 = arith.muli %add3A_206, %mul3A_233 : i32
      %swap3A_235 = arith.index_cast %mul3A_234 : i32 to index
      %swap3A_236 = tpu.vector_load %arg8[%swap3A_235] {strides = array<i32>} : memref<10000xf32, #tpu.memory_space<vmem>>, vector<16xf32>,
      tpu.vector_store %arg8[%swap3A_235], %broadcast_in_dim3A_7 {strides = array<i32>} : memref<10000xf32, #tpu.memory_space<vmem>>, vector<16xf32>,
    }
    %scan3A_112 = arith.constant 41 : i32
    %dma_wait3A_113 = arith.constant 0 : i32
    %dma_wait3A_114 = tpu.memref_slice %arg6[%dma_wait3A_113] : memref<10000xi32, #tpu.memory_space<vmem>> -> memref<80xi32, #tpu.memory_space<vmem>>
    %dma_wait3A_115 = arith.constant 0 : i32
    %dma_wait3A_116 = arith.constant 0 : i32
    %dma_wait3A_117 = tpu.memref_slice %arg2[%dma_wait3A_115, %dma_wait3A_116] : memref<10000x128xf32, #tpu.memory_space<hbm>> -> memref<10000x128xf32, #tpu.memory_space<hbm>>
    tpu.wait_indirect_dma semaphore(%arg15 : memref<!tpu.dma_semaphore, #tpu.memory_space<semaphore_mem>>) src(%dma_wait3A_117 : memref<10000x128xf32, #tpu.memory_space<hbm>>) dst(%arg11 : memref<80x128xf32, #tpu.memory_space<vmem>>)
    %dma_start3A_118 = arith.constant 9920 : i32
    %dma_start3A_119 = tpu.memref_slice %arg7[%dma_start3A_118] : memref<10000xi32, #tpu.memory_space<vmem>> -> memref<80xi32, #tpu.memory_space<vmem>>
    %dma_start3A_120 = arith.constant 0 : i32
    %dma_start3A_121 = arith.constant 0 : i32
    %dma_start3A_122 = tpu.memref_slice %arg2[%dma_start3A_120, %dma_start3A_121] : memref<10000x128xf32, #tpu.memory_space<hbm>> -> memref<10000x128xf32, #tpu.memory_space<hbm>>
    tpu.enqueue_indirect_dma source(%dma_start3A_122 : memref<10000x128xf32, #tpu.memory_space<hbm>>) target(%arg11 : memref<80x128xf32, #tpu.memory_space<vmem>>) offsets(%dma_start3A_119 : memref<80xi32, #tpu.memory_space<vmem>>) semaphore(%arg15 : memref<!tpu.dma_semaphore, #tpu.memory_space<semaphore_mem>>) {add = true}
    %dma_wait3A_123 = arith.constant 0 : i32
    %dma_wait3A_124 = tpu.memref_slice %arg6[%dma_wait3A_123] : memref<10000xi32, #tpu.memory_space<vmem>> -> memref<80xi32, #tpu.memory_space<vmem>>
    %dma_wait3A_125 = arith.constant 0 : i32
    %dma_wait3A_126 = arith.constant 0 : i32
    %dma_wait3A_127 = tpu.memref_slice %arg2[%dma_wait3A_125, %dma_wait3A_126] : memref<10000x128xf32, #tpu.memory_space<hbm>> -> memref<10000x128xf32, #tpu.memory_space<hbm>>
    tpu.wait_indirect_dma semaphore(%arg14 : memref<!tpu.dma_semaphore, #tpu.memory_space<semaphore_mem>>) src(%dma_wait3A_127 : memref<10000x128xf32, #tpu.memory_space<hbm>>) dst(%arg10 : memref<80x128xf32, #tpu.memory_space<vmem>>)
    %swap3A = arith.constant 9840 : index
    %swap3A_128 = tpu.vector_load %arg8[%swap3A] {strides = array<i32>} : memref<10000xf32, #tpu.memory_space<vmem>>, vector<16xf32>,
    tpu.vector_store %arg8[%swap3A], %broadcast_in_dim3A_7 {strides = array<i32>} : memref<10000xf32, #tpu.memory_space<vmem>>, vector<16xf32>,
    %dma_wait3A_129 = arith.constant 0 : i32
    %dma_wait3A_130 = tpu.memref_slice %arg6[%dma_wait3A_129] : memref<10000xi32, #tpu.memory_space<vmem>> -> memref<80xi32, #tpu.memory_space<vmem>>
    %dma_wait3A_131 = arith.constant 0 : i32
    %dma_wait3A_132 = arith.constant 0 : i32
    %dma_wait3A_133 = tpu.memref_slice %arg2[%dma_wait3A_131, %dma_wait3A_132] : memref<10000x128xf32, #tpu.memory_space<hbm>> -> memref<10000x128xf32, #tpu.memory_space<hbm>>
    tpu.wait_indirect_dma semaphore(%arg15 : memref<!tpu.dma_semaphore, #tpu.memory_space<semaphore_mem>>) src(%dma_wait3A_133 : memref<10000x128xf32, #tpu.memory_space<hbm>>) dst(%arg11 : memref<80x128xf32, #tpu.memory_space<vmem>>)
    %swap3A_134 = arith.constant 9920 : index
    %swap3A_135 = tpu.vector_load %arg8[%swap3A_134] {strides = array<i32>} : memref<10000xf32, #tpu.memory_space<vmem>>, vector<16xf32>,
    tpu.vector_store %arg8[%swap3A_134], %broadcast_in_dim3A_7 {strides = array<i32>} : memref<10000xf32, #tpu.memory_space<vmem>>, vector<16xf32>,
    "tpu.region"() ({
      %run_scoped3A = tpu.sem_alloc : memref<!tpu.dma_semaphore, #tpu.memory_space<semaphore_mem>>
      %dma_start3A_136 = tpu.memref_slice %arg5[%mul3A_2] : memref<320000xf32, #tpu.memory_space<hbm>> -> memref<10000xf32, #tpu.memory_space<hbm>>
      %dma_start3A_137 = tpu.memref_slice %arg5[%mul3A_2] : memref<320000xf32, #tpu.memory_space<hbm>> -> memref<10000xf32, #tpu.memory_space<hbm>>
      tpu.enqueue_dma source(%arg8 : memref<10000xf32, #tpu.memory_space<vmem>>) target(%dma_start3A_137 : memref<10000xf32, #tpu.memory_space<hbm>>) target_semaphore(%run_scoped3A : memref<!tpu.dma_semaphore, #tpu.memory_space<semaphore_mem>>)
      %dma_wait3A_138 = tpu.memref_slice %arg5[%mul3A_2] : memref<320000xf32, #tpu.memory_space<hbm>> -> memref<10000xf32, #tpu.memory_space<hbm>>
      %dma_wait3A_139 = tpu.memref_slice %arg5[%mul3A_2] : memref<320000xf32, #tpu.memory_space<hbm>> -> memref<10000xf32, #tpu.memory_space<hbm>>
      tpu.wait_dma2 semaphore(%run_scoped3A : memref<!tpu.dma_semaphore, #tpu.memory_space<semaphore_mem>>) src(%arg8 : memref<10000xf32, #tpu.memory_space<vmem>>) dst(%dma_wait3A_139 : memref<10000xf32, #tpu.memory_space<hbm>>)
      tpu.yield
    }) : () -> ()
    return
  }
}

</mosaic_0001>

<sc_bundles>
// kernel: _run.3.cloned.1.call-start
scs
__scs_entry_jumppad:
0x0: {  	(pc) =	sbr.rel $0x88, $3  }
0x1: {  	(tag) =	ssettag $0x0;
	lr =	simm.s32 $0x1  }
0x2: {  	[smem:$0x3F9E] =	sst lr;
	_ =	strace $0xD0000000  }
0x3: {  	_ = 	snop  }
0x4: {  	_ = 	snop  }
0x5: {  	_ = 	snop  }
0x6: {  	_ = 	snop  }
0x7: {  	_ = 	snop  }
__scs_overlays_trampoline_lowered:
0x8: {  	[smem:$0x3FAD] =	sst s0  }
0x9: {  	[smem:$0x3FAE] =	sst s1  }
0xa: {  	[smem:$0x3FAF] =	sst s2  }
0xb: {  	[smem:$0x3FB0] =	sst s3  }
0xc: {  	[smem:$0x3FB1] =	sst s4  }
0xd: {  	[smem:$0x3FB2] =	sst s5  }
0xe: {  	[smem:$0x3FB3] =	sst s6  }
0xf: {  	[smem:$0x3FB4] =	sst s7  }
0x10: {  	[smem:$0x3FB5] =	sst s8  }
0x11: {  	[smem:$0x3FB6] =	sst s9;
	s0 =	simm.s32 @!p0 $0x0  }
0x12: {  	s1 =	sld [smem:$0x3F9C];
	s0 =	simm.s32 @p0 $0x1  }
0x13: {  	[smem:$0x3FB7] =	sst s0;
	s0 =	simm.s32 @!p1 $0x0  }
0x14: {  	s2 =	sld [smem:$0x3F9B];
	s0 =	simm.s32 @p1 $0x1  }
0x15: {  	[smem:$0x3FB8] =	sst s0;
	s0 =	simm.s32 @!p2 $0x0  }
0x16: {  	s3 =	sld [smem:$0x3FDB];
	s0 =	simm.s32 @p2 $0x1  }
0x17: {  	s4 =	simm.s32 $0x1BF5;
	[smem:$0x3FBA] =	sst s0  }
0x18: {  	s0 =	sld [smem:$0x3F9D];
	_ =	swait.ge [sflag:s4], $0x0  }
0x19: {  	s7 =	sld [smem:$0x3F9E]  }
0x1a: {  	s8 =	sadd.s32 $0xFFFFE003, lr  }
0x1b: {  	s9 =	sadd.s32 $0xFFFFFEF7, lr;
	s5 =	simm.s32 $0xFFFFFFFF;
	p2 =	slt.u32 s8, $0xFFFFF086  }
0x1c: {  	p1 =	slt.u32 s9, $0xF7A;
	s5 =	simm.s32 @!p2 $0x0  }
0x1d: {  	s5 =	simm.s32 @p1 $0x1;
	p0 =	seq.s32 s7, s2  }
0x1e: {  	s7 =	smul.u32 @!p0 $0xF7A, s2;
	p2 =	seq.s32 @!p0 s5, $0x0  }
0x1f: {  	s9 =	smul.u32 $0xF7A, s1;
	s8 =	simm.s32 @!p0 $0x1BF5;
	p2 =	por !p2, p0  }
0x20: {  	[sflag:s8] =	ssyncset.s32 @!p0 $0xFFFFF086;
	s6 =	sadd.s32 @!p0 s3, s7;
	s7 =	simm.s32 @!p0 $0x108  }
0x21: {  	s3 =	sadd.s32 s3, s9;
	s6 =	sadd.s32 @!p0 $0x88, s6;
	s7 =	simm.s32 @p2 $0x1082  }
0x22: {  	[simem:s7], [sflag:s8] =	dma.local @!p0 [hbm:s6], $0xF7A  }
0x23: {  	s9 =	sor.u32 $0xD0000000, s2;
	s6 =	simm.s32 $0x108;
	_ =	swait.ge @!p0 [sflag:s8], $0x0  }
0x24: {  	s3 =	sadd.s32 $0x88, s3;
	s6 =	simm.s32 @!p1 $0x1082;
	[sflag:s4] =	ssyncset.s32 $0xFFFFF086  }
0x25: {  	[simem:s6], [sflag:s4] =	dma.local [hbm:s3], $0xF7A  }
0x26: {  	[smem:$0x3F9E] =	sst s1;
	(tag) =	ssettag s2;
	_ =	strace s9  }
0x27: {  	s1 =	sld [smem:$0x3FAE]  }
0x28: {  	s2 =	sld [smem:$0x3FAF]  }
0x29: {  	s4 =	sld [smem:$0x3FB1]  }
0x2a: {  	p0 =	seq.s32 s5, $0x0;
	s5 =	sld [smem:$0x3FB2]  }
0x2b: {  	s6 =	sld [smem:$0x3FB3]  }
0x2c: {  	s7 =	sld [smem:$0x3FB4]  }
0x2d: {  	s3 =	simm.s32 $0x108;
	s8 =	sld [smem:$0x3FB5]  }
0x2e: {  	s3 =	simm.s32 @!p0 $0x1082;
	s9 =	sld [smem:$0x3FB6]  }
0x2f: {  	lr =	sadd.s32 s0, s3;
	s0 =	sld [smem:$0x3FAD]  }
0x30: {  	s3 =	sld [smem:$0x3FB0]  }
0x31: {  	[smem:$0x3FB9] =	sst s10  }
0x32: {  	s10 =	sld [smem:$0x3FB7];
	_ =	sdelay $0x3  }
0x33: {  	p0 =	seq.s32 s10, $0x1;
	s10 =	sld [smem:$0x3FB9];
	_ =	sdelay $0x3  }
0x34: {  	[smem:$0x3FB9] =	sst s10  }
0x35: {  	s10 =	sld [smem:$0x3FB8];
	_ =	sdelay $0x3  }
0x36: {  	p1 =	seq.s32 s10, $0x1;
	s10 =	sld [smem:$0x3FB9];
	_ =	sdelay $0x3  }
0x37: {  	[smem:$0x3FB9] =	sst s10  }
0x38: {  	s10 =	sld [smem:$0x3FBA]  }
0x39: {  	_ = 	snop;
	(pc) =	sbr.ind lr, $3  }
0x3a: {  	_ = 	snop  }
0x3b: {  	_ = 	snop  }
0x3c: {  	p2 =	seq.s32 s10, $0x1;
	s10 =	sld [smem:$0x3FB9]  }
0x3d: {  	_ =	shalt  }
0x3e: {  	_ =	shalt  }
0x3f: {  	_ =	shalt  }
0x40: {  	_ =	shalt  }
0x41: {  	_ =	shalt  }
0x42: {  	_ =	shalt  }
0x43: {  	_ =	shalt  }
0x44: {  	_ =	shalt  }
0x45: {  	_ =	shalt  }
0x46: {  	_ =	shalt  }
0x47: {  	_ =	shalt  }
0x48: {  	_ =	shalt  }
0x49: {  	_ =	shalt  }
0x4a: {  	_ =	shalt  }
0x4b: {  	_ =	shalt  }
0x4c: {  	_ =	shalt  }
0x4d: {  	_ =	shalt  }
0x4e: {  	_ =	shalt  }
0x4f: {  	_ =	shalt  }
0x50: {  	_ =	shalt  }
0x51: {  	_ =	shalt  }
0x52: {  	_ =	shalt  }
0x53: {  	_ =	shalt  }
0x54: {  	_ =	shalt  }
0x55: {  	_ =	shalt  }
0x56: {  	_ =	shalt  }
0x57: {  	_ =	shalt  }
0x58: {  	_ =	shalt  }
0x59: {  	_ =	shalt  }
0x5a: {  	_ =	shalt  }
0x5b: {  	_ =	shalt  }
0x5c: {  	_ =	shalt  }
0x5d: {  	_ =	shalt  }
0x5e: {  	_ =	shalt  }
0x5f: {  	_ =	shalt  }
0x60: {  	_ =	shalt  }
0x61: {  	_ =	shalt  }
0x62: {  	_ =	shalt  }
0x63: {  	_ =	shalt  }
0x64: {  	_ =	shalt  }
0x65: {  	_ =	shalt  }
0x66: {  	_ =	shalt  }
0x67: {  	_ =	shalt  }
0x68: {  	_ =	shalt  }
0x69: {  	_ =	shalt  }
0x6a: {  	_ =	shalt  }
0x6b: {  	_ =	shalt  }
0x6c: {  	_ =	shalt  }
0x6d: {  	_ =	shalt  }
0x6e: {  	_ =	shalt  }
0x6f: {  	_ =	shalt  }
0x70: {  	_ =	shalt  }
0x71: {  	_ =	shalt  }
0x72: {  	_ =	shalt  }
0x73: {  	_ =	shalt  }
0x74: {  	_ =	shalt  }
0x75: {  	_ =	shalt  }
0x76: {  	_ =	shalt  }
0x77: {  	_ =	shalt  }
0x78: {  	_ =	shalt  }
0x79: {  	_ =	shalt  }
0x7a: {  	_ =	shalt  }
0x7b: {  	_ =	shalt  }
0x7c: {  	_ =	shalt  }
0x7d: {  	_ =	shalt  }
0x7e: {  	_ =	shalt  }
0x7f: {  	_ =	shalt  }
0x80: {  	_ =	shalt  }
0x81: {  	_ =	shalt  }
0x82: {  	_ =	shalt  }
0x83: {  	_ =	shalt  }
0x84: {  	_ =	shalt  }
0x85: {  	_ =	shalt  }
0x86: {  	_ =	shalt  }
0x87: {  	_ =	shalt  }
.Lfunc_end0:
.L_simem_size_0:
called_computation_lowered:
.L_overlay_start_0:
0x88: {  	s2 =	sld [smem:$0x3FD9]  }
0x89: {  	s3 =	sld [smem:$0x3FFE];
	_ =	sdelay $0x1  }
0x8a: {  	s1 =	srdreg.scid  }
0x8b: {  	s0 =	sand.u32 $0x1, s1  }
0x8c: {  	s18 =	sshll.u32 s0, $0xA;
	s2 =	sadd.s32 s3, s2  }
0x8d: {  	s2 =	sadd.s32 s2, s18  }
0x8e: {  	[smem:$0x3FC5] =	sst s2  }
0x8f: {  	_ = 	snop  }
0x90: {  	s2 =	sld [smem:$0x3FC9]  }
0x91: {  	s19 =	sld [smem:$0x3FC8]  }
0x92: {  	s4 =	sld [smem:$0x3FC7]  }
0x93: {  	s5 =	sld [smem:$0x3FD0];
	(tm) =	ssettm $0x1  }
0x94: {  	s6 =	sld [smem:$0x3FFB];
	_ =	sdelay $0x3  }
0x95: {  	_ =	strace s6  }
0x96: {  	s6 =	sld [smem:$0x3FFC];
	_ =	sdelay $0x3  }
0x97: {  	_ =	strace s6  }
0x98: {  	s6 =	sld [smem:$0x3FFD];
	_ =	sdelay $0x3  }
0x99: {  	_ =	strace s6  }
0x9a: {  	_ =	strace $0x8FFFFFFF  }
0x9b: {  	s20 =	sld [smem:$0x3FDB];
	_ =	sdelay $0x1  }
0x9c: {  	s7 =	simm.s32 $_scs_section_size  }
0x9d: {  	s8 =	simm.s32 $_size__tile_overlayer_lowered;
	s9 =	simm.s32 $_tile_overlayer_lowered  }
0x9e: {  	s23 =	simm.s32 $0x1BFF;
	s22 =	sshll.u32 s9, $0x1;
	s6 =	sadd.s32 s7, s20  }
0x9f: {  	s10 =	simm.s32 $0x0;
	s21 =	sshll.u32 s8, $0x1;
	s8 =	sadd.s32 s22, s6  }
0xa0: {  	[timem:s10], [sflag:s23] =	dma.local [hbm:s8], s21  }
0xa1: {  	_ =	swait.ge [sflag:s23], s21  }
0xa2: {  	s7 =	ssub.s32 $0x0, s21;
	[sflag:s23] =	ssyncset.done $0x0  }
0xa3: {  	[sflag:s23] =	ssyncadd.s32 s7;
	_ =	sdelay $0x1  }
0xa4: {  	s24 =	simm.s32 $0x1B8B  }
0xa5: {  	_ =	swait.ge [sflag:s24], $0x1  }
0xa6: {  	[sflag:s24] =	ssyncset.done $0x0  }
0xa7: {  	s25 =	simm.s32 $0x1B8E;
	[sflag:s24] =	ssyncadd.s32 $0xFFFFFFFF  }
0xa8: {  	s26 =	simm.s32 $execute0_lowered;
	[smem:$0x3FD2] =	sst s25  }
0xa9: {  	s7 =	sshll.u32 s26, $0x1;
	_ =	strace $0x80000046;
	[dreg:$0x1] =	wrdreg $0xFFFFFFFF  }
0xaa: {  	s28 =	simm.s32 $_size_execute0_lowered;
	s6 =	sadd.s32 s6, s7;
	[dreg:$0x0] =	wrdreg $0x0  }
0xab: {  	s7 =	sshll.u32 s28, $0x1;
	[dreg:$0x2] =	wrdreg s6  }
0xac: {  	[dreg:$0x3] =	wrdreg s7  }
0xad: {  	[dreg:$0x4] =	wrdreg $0xC0  }
0xae: {  	_ =	task [dreg:s10], $0x5FFFF  }
0xaf: {  	[dreg:$0x1] =	wrdreg $0xFFFFFFFF  }
0xb0: {  	[dreg:$0x0] =	wrdreg $0x60  }
0xb1: {  	[dreg:$0x2] =	wrdreg s2  }
0xb2: {  	[dreg:$0x3] =	wrdreg s19  }
0xb3: {  	[dreg:$0x4] =	wrdreg s4  }
0xb4: {  	[dreg:$0x5] =	wrdreg s5  }
0xb5: {  	[dreg:$0x6] =	wrdreg $0x116000  }
0xb6: {  	[dreg:$0x7] =	wrdreg $0x9  }
0xb7: {  	_ =	task.clear_ibuf [dreg:s10], $0x8FFFF;
	_ =	strace $0x90000046  }
0xb8: {  	s29 =	simm.s32 $0x9;
	_ =	strace $0x80000048  }
0xb9: {  	_ =	swait.ge [sflag:s29], $0x1  }
0xba: {  	[sflag:s29] =	ssyncadd.s32 $0xFFFFFFFF  }
0xbb: {  	_ =	strace $0x90000048  }
0xbc: {  	_ =	sfence  }
0xbd: {  	s30 =	sld [smem:$0x0];
	_ =	sdelay $0x2  }
0xbe: {  	s31 =	sshll.u32 s1, $0xD;
	s1 =	sshrl.u32 s1, $0x2  }
0xbf: {  	s3 =	sand.u32 $0x4000, s31;
	s1 =	sadd.s32 s1, s30  }
0xc0: {  	s0 =	sor.u32 s3, s0;
	s1 =	sshll.u32 s1, $0x11  }
0xc1: {  	s0 =	sor.u32 s1, s0  }
0xc2: {  	s0 =	sadd.s32 $0x8F2B, s0  }
0xc3: {  	[sflag:s0] =	ssyncadd.remote.s32 $0x1  }
0xc4: {  	_ =	sfence.sel $0xFFFF  }
0xc5: {  	[dreg:$0x0] =	wrdreg $0xFFFFFFFF;
	(pc) =	sbr.abs _section_cstart, $3  }
0xc6: {  	[dreg:$0x1] =	wrdreg $0xFFFFFFFF  }
0xc7: {  	_ =	task.clear_ibuf [dreg:s10], $0x2FFFF;
	_ =	strace $0x9FFFFFFF  }
0xc8: {  	(tm) =	ssettm $0x7FFFFFFF  }
0xc9: {  	_ =	shalt  }
tec
execute0_lowered:
.L_overlay_start_1:
0x0: {  	(tag) =	ssettag $0x1  }
0x1: {  	s0 =	rddreg [dreg:$0x0]  }
0x2: {  	s1 =	rddreg [dreg:$0x1]  }
0x3: {  	s3 =	rddreg [dreg:$0x2]  }
0x4: {  	s5 =	rddreg [dreg:$0x3]  }
0x5: {  	s12 =	rddreg [dreg:$0x4];
	s7 =	stileid.u32  }
0x6: {  	s2 =	srdreg.scid;
	s16 =	simm.s32 $0x4;
	s17 =	simm.s32 $0x2780  }
0x7: {  	s18 =	simm.s32 $0x9E00;
	s19 =	simm.s32 $0x7680;
	s20 =	simm.s32 $0x50  }
0x8: {  	s21 =	simm.s32 $0x1;
	s22 =	simm.s32 $0xC600;
	s23 =	simm.s32 $0x2  }
0x9: {  	s24 =	simm.s32 $0xEE00;
	s25 =	simm.s32 $0x3;
	s28 =	simm.s32 $0x4F00  }
0xa: {  	s4 =	smul.u32 $0x280, s7;
	s6 =	sand.u32 $0x1, s2;
	s7 =	sshll.u32 s7, $0x1  }
0xb: {  	s29 =	simm.s32 $0x0;
	s2 =	simm.s32 $0x0;
	s7 =	sor.u32 s6, s7  }
0xc: {  	s9 =	ssub.s32 $0x2, s6;
	[smem:$0x7FF] =	sst s2;
	s8 =	ssub.s32 $0x2710, s4  }
0xd: {  	s14 =	smul.u32 $0x4E2, s7;
	s31 =	sshrl.u32 s9, $0x1;
	_ =	strace $0x80000047  }
0xe: {  	s11 =	sadd.s32 $0x7680, s4;
	s12 =	sadd.s32 s4, s12;
	s6 =	smin.u32 s8, $0x280  }
0xf: {  	s15 =	ssub.s32 s9, s31;
	s10 =	smul.u32 $0x334, s6;
	s7 =	sadd.s32 s1, s14  }
0x10: {  	s8 =	sadd.s32 s3, s14;
	s9 =	sshrl.u32 s6, $0x4;
	s13 =	ssub.s32 $0x0, s6  }
0x11: {  	v0 =	vimm.f32 $0.0e+00;
	s14 =	sadd.s32 s5, s14;
	s15 =	smax.u32 s15, $0x1;
	s10 =	sshrl.u32 s10, $0x10  }
.LBB2_1:
0x12: {  	[tilespmem:s2], [sflag:$0x4] =	stream.linear.gather [hbm4b:s7+s2], $0x2710, $0x38;
	[tilespmem:$0x11878] =	vst v63  }
0x13: {  	_ =	swait.ge [sflag:s16], $0x2710  }
0x14: {  	p0 =	sne.s32 s9, $0x1;
	[sflag:s16] =	ssyncset.done $0x0  }
.Ltmp0:
0x15: {  	[sflag:s16] =	ssyncadd.s32 $0xFFFFD8F0;
	(pc) =	sbr.rel @!p0 .LBB2_3-.Ltmp0, $4  }
0x16: {  	[tilespmem:s17], [sflag:$0x4] =	stream.linear.gather [hbm4b:s8+s2], $0x2710, $0x38;
	[tilespmem:$0x11878] =	vst v63  }
0x17: {  	s1 =	sadd.s32 $0x0, s4;
	s5 =	sand.u32 $0x70, s2;
	_ =	swait.ge [sflag:s16], $0x2710  }
0x18: {  	s3 =	sand.u32 $0xFFFFFF80, s1;
	s1 =	sadd.s32 $0xFFFFFFFF, s9;
	[sflag:s16] =	ssyncset.done $0x0  }
0x19: {  	s5 =	sor.u32 s5, s3;
	s3 =	smov.u32 s2;
	[sflag:s16] =	ssyncadd.s32 $0xFFFFD8F0  }
.LBB2_2:
0x1a: {  	p0 =	sne.s32 s1, $0x1;
	s1 =	sadd.s32 $0xFFFFFFFF, s1;
	[tilespmem:s5+$0x7680] =	vst v0;
	s3 =	sadd.s32 $0x10, s3  }
.Ltmp1:
0x1b: {  	(pc) =	sbr.rel @p0 .LBB2_2-.Ltmp1, $4  }
0x1c: {  	_ = 	snop  }
0x1d: {  	s5 =	sadd.s32 s3, s4  }
0x1e: {  	s30 =	sand.u32 $0x70, s3;
	s5 =	sand.u32 $0xFFFFFF80, s5  }
0x1f: {  	s5 =	sor.u32 s30, s5  }
.LBB2_3:
0x20: {  	[tilespmem:s5+$0x7680] =	vst v0;
	s30 =	smov.u32 s4;
	s31 =	smov.u32 s2  }
.LBB2_4:
0x21: {  	s1 =	smul.u32 $0x50, s31;
	_ =	sdelay $0x1  }
0x22: {  	s1 =	sadd.s32 s4, s1  }
0x23: {  	s1 =	sshll.u32 s1, $0x4  }
0x24: {  	s1 =	sadd.s32 s0, s1  }
0x25: {  	[tilespmem:s18], [sflag:$0x4] =	stream.linear.gather [hbm4b:s1+s2], $0x2800, $0x38;
	[tilespmem:$0x11878] =	vst v63  }
0x26: {  	_ =	swait.ge [sflag:s16], $0x2800  }
0x27: {  	[sflag:s16] =	ssyncset.done $0x0  }
0x28: {  	s1 =	simm.s32 $0x9E40;
	[sflag:s16] =	ssyncadd.s32 $0xFFFFD800  }
0x29: {  	v1 =	vld [tilespmem:s1+$0xFFFFFFC0]  }
0x2a: {  	v2 =	vld [tilespmem:s1+$0xFFFFFFD0]  }
0x2b: {  	p0 =	sne.s32 s2, $0x4F;
	v3 =	vld [tilespmem:s1+$0xFFFFFFE0]  }
.Ltmp2:
0x2c: {  	v4 =	vld [tilespmem:s1+$0xFFFFFFF0];
	(pc) =	sbr.rel @!p0 .LBB2_6-.Ltmp2, $4  }
0x2d: {  	v5 =	vld [tilespmem:s1+$0x0]  }
0x2e: {  	v6 =	vld [tilespmem:s1+$0x10]  }
0x2f: {  	v7 =	vld [tilespmem:s1+$0x20]  }
0x30: {  	s3 =	sadd.s32 $0x1, s2;
	s5 =	smov.u32 s2;
	v8 =	vld [tilespmem:s1+$0x30]  }
.LBB2_5:
0x31: {  	p0 =	sne.s32 s3, $0x4F  }
0x32: {  	v1 =	vmul.f32 v1, v1;
	v2 =	vmul.f32 v2, v2  }
0x33: {  	v3 =	vmul.f32 v3, v3;
	v4 =	vmul.f32 v4, v4  }
0x34: {  	v5 =	vmul.f32 v5, v5;
	v6 =	vmul.f32 v6, v6  }
0x35: {  	v7 =	vmul.f32 v7, v7;
	v8 =	vmul.f32 v8, v8  }
0x36: {  	v1 =	vadd.f32 v2, v1;
	v2 =	vadd.f32 v4, v3  }
0x37: {  	s26 =	sadd.s32 s5, s30;
	s5 =	smov.u32 s3;
	v3 =	vadd.f32 v6, v5;
	v4 =	vadd.f32 v8, v7  }
0x38: {  	v5 =	vmov s26  }
0x39: {  	v1 =	vadd.f32 v2, v1;
	v2 =	vadd.f32 v4, v3;
	_ =	sdelay $0x1  }
0x3a: {  	v1 =	vadd.f32 v2, v1;
	_ =	sdelay $0x1  }
0x3b: {  	s1 =	sadd.s32 $0x80, s1;
	[tilespmem:v5+s19+$0x0] =	vst.idx.add.f32.msk $0xffff, v1  }
0x3c: {  	v1 =	vld [tilespmem:s1+$0xFFFFFFC0]  }
0x3d: {  	v2 =	vld [tilespmem:s1+$0xFFFFFFD0]  }
0x3e: {  	v3 =	vld [tilespmem:s1+$0xFFFFFFE0]  }
.Ltmp3:
0x3f: {  	v4 =	vld [tilespmem:s1+$0xFFFFFFF0];
	(pc) =	sbr.rel @p0 .LBB2_5-.Ltmp3, $4  }
0x40: {  	v5 =	vld [tilespmem:s1+$0x0]  }
0x41: {  	v6 =	vld [tilespmem:s1+$0x10]  }
0x42: {  	v7 =	vld [tilespmem:s1+$0x20]  }
0x43: {  	s3 =	sadd.s32 $0x1, s3;
	v8 =	vld [tilespmem:s1+$0x30]  }
.LBB2_6:
0x44: {  	_ = 	snop  }
0x45: {  	v1 =	vmul.f32 v1, v1;
	v2 =	vmul.f32 v2, v2  }
0x46: {  	v3 =	vmul.f32 v3, v3;
	v4 =	vmul.f32 v4, v4  }
0x47: {  	v5 =	vmul.f32 v5, v5;
	v6 =	vmul.f32 v6, v6  }
0x48: {  	v7 =	vmul.f32 v7, v7;
	v8 =	vmul.f32 v8, v8  }
0x49: {  	v1 =	vadd.f32 v2, v1;
	v2 =	vadd.f32 v4, v3  }
0x4a: {  	s1 =	sadd.s32 s5, s30;
	s31 =	sadd.s32 $0x1, s31;
	v3 =	vadd.f32 v6, v5;
	v62 =	vadd.f32 v8, v7  }
0x4b: {  	v63 =	vmov s1;
	p0 =	sne.s32 s31, s10  }
.Ltmp4:
0x4c: {  	v1 =	vadd.f32 v2, v1;
	v2 =	vadd.f32 v62, v3;
	(pc) =	sbr.rel @p0 .LBB2_4-.Ltmp4, $3  }
0x4d: {  	_ = 	snop  }
0x4e: {  	v1 =	vadd.f32 v2, v1;
	_ =	sdelay $0x1  }
0x4f: {  	s30 =	sadd.s32 $0x50, s30;
	[tilespmem:v63+s19+$0x0] =	vst.idx.add.f32.msk $0xffff, v1  }
0x50: {  	[spmem:s12] =	stream.linear.scatter [tilespmem:s11], [sflag:$0x4], s6, $0x38;
	[tilespmem:$0x11878] =	vst v63  }
0x51: {  	_ =	swait.ge [sflag:s16], s6  }
0x52: {  	[sflag:s16] =	ssyncset.done $0x0  }
0x53: {  	[sflag:s16] =	ssyncadd.s32 s13  }
0x54: {  	[bflag:$0x0] =	sbarrier.arrive $0xFFFF  }
0x55: {  	s1 =	rddreg [dreg:$0x4]  }
0x56: {  	[tilespmem:s19], [sflag:$0x4] =	stream.linear.gather [spmem:s1], $0x2780, $0x38;
	[tilespmem:$0x11878] =	vst v63  }
0x57: {  	_ =	swait.ge [sflag:s16], $0x2780  }
0x58: {  	[sflag:s16] =	ssyncset.done $0x0  }
0x59: {  	s3 =	simm.s32 $0x0;
	s1 =	simm.s32 $0x40;
	[sflag:s16] =	ssyncadd.s32 $0xFFFFD880  }
.LBB2_8:
0x5a: {  	p0 =	sne.s32 s1, $0x9C00;
	[tilespmem:s3+$0x4F00] =	vst v0;
	s3 =	smov.u32 s1;
	s1 =	sadd.s32 $0x40, s1  }
.Ltmp5:
0x5b: {  	(pc) =	sbr.rel @p0 .LBB2_8-.Ltmp5, $2  }
0x5c: {  	_ =	sdelay $0x2  }
0x5d: {  	s3 =	sshra.s32 s3, $0x2  }
0x5e: {  	[tilespmem:s3+$0x4F00] =	vst v0;
	s1 =	simm.s32 $0x0  }
0x5f: {  	[tilespmem:s18], [sflag:$0x1] =	stream.indirect.gather [hbm4b:s0+s20], $0x80, s1, s20, $0xb8;
	[tilespmem:$0x11878] =	vst v63  }
0x60: {  	_ =	swait.ge [sflag:s21], $0x2800  }
0x61: {  	[sflag:s21] =	ssyncset.done $0x0  }
0x62: {  	[sflag:s21] =	ssyncadd.s32 $0xFFFFD800  }
0x63: {  	[tilespmem:s18], [sflag:$0x1] =	stream.indirect.gather.add.f32 [hbm:s0], $0x80, s17, s20, $0xb8;
	[tilespmem:$0x11878] =	vst v63  }
0x64: {  	_ = 	snop  }
0x65: {  	[tilespmem:s22], [sflag:$0x2] =	stream.indirect.gather [hbm4b:s0+s20], $0x80, s20, s20, $0xb8;
	[tilespmem:$0x11878] =	vst v63  }
0x66: {  	_ =	swait.ge [sflag:s23], $0x2800  }
0x67: {  	[sflag:s23] =	ssyncset.done $0x0  }
0x68: {  	s3 =	simm.s32 $0x27D0;
	[sflag:s23] =	ssyncadd.s32 $0xFFFFD800  }
0x69: {  	[tilespmem:s22], [sflag:$0x2] =	stream.indirect.gather.add.f32 [hbm:s0], $0x80, s3, s20, $0xb8;
	[tilespmem:$0x11878] =	vst v63  }
0x6a: {  	s5 =	simm.s32 $0xA0  }
0x6b: {  	[tilespmem:s24], [sflag:$0x3] =	stream.indirect.gather [hbm4b:s0+s20], $0x80, s5, s20, $0xb8;
	[tilespmem:$0x11878] =	vst v63  }
0x6c: {  	_ =	swait.ge [sflag:s21], $0x2800  }
0x6d: {  	[sflag:s21] =	ssyncset.done $0x0  }
0x6e: {  	s30 =	simm.s32 $0x0;
	[sflag:s21] =	ssyncadd.s32 $0xFFFFD800  }
0x6f: {  	[tilespmem:s30+$0x4F00] =	vst v0  }
0x70: {  	_ =	swait.ge [sflag:s25], $0x2800  }
0x71: {  	[sflag:s25] =	ssyncset.done $0x0  }
0x72: {  	s26 =	simm.s32 $0x2820;
	[sflag:s25] =	ssyncadd.s32 $0xFFFFD800  }
0x73: {  	[tilespmem:s24], [sflag:$0x3] =	stream.indirect.gather.add.f32 [hbm:s0], $0x80, s26, s20, $0xb8;
	[tilespmem:$0x11878] =	vst v63  }
0x74: {  	s3 =	simm.s32 $0xF0  }
0x75: {  	[tilespmem:s18], [sflag:$0x1] =	stream.indirect.gather [hbm4b:s0+s20], $0x80, s3, s20, $0xb8;
	[tilespmem:$0x11878] =	vst v63  }
0x76: {  	_ =	swait.ge [sflag:s23], $0x2800  }
0x77: {  	[sflag:s23] =	ssyncset.done $0x0  }
0x78: {  	[sflag:s23] =	ssyncadd.s32 $0xFFFFD800  }
0x79: {  	[tilespmem:s30+$0x4F50] =	vst v0  }
0x7a: {  	_ =	swait.ge [sflag:s21], $0x2800  }
0x7b: {  	[sflag:s21] =	ssyncset.done $0x0  }
0x7c: {  	s5 =	simm.s32 $0x2870;
	[sflag:s21] =	ssyncadd.s32 $0xFFFFD800  }
0x7d: {  	[tilespmem:s18], [sflag:$0x1] =	stream.indirect.gather.add.f32 [hbm:s0], $0x80, s5, s20, $0xb8;
	[tilespmem:$0x11878] =	vst v63  }
0x7e: {  	s26 =	simm.s32 $0x140  }
0x7f: {  	[tilespmem:s22], [sflag:$0x2] =	stream.indirect.gather [hbm4b:s0+s20], $0x80, s26, s20, $0xb8;
	[tilespmem:$0x11878] =	vst v63  }
0x80: {  	_ =	swait.ge [sflag:s25], $0x2800  }
0x81: {  	[sflag:s25] =	ssyncset.done $0x0  }
0x82: {  	s31 =	simm.s32 $0x3C0;
	[sflag:s25] =	ssyncadd.s32 $0xFFFFD800  }
.LBB2_10:
0x83: {  	p0 =	sne.s32 s31, $0x9600;
	[tilespmem:s30+$0x4FA0] =	vst v0;
	s1 =	smov.u32 s31;
	s31 =	sadd.s32 $0x3C0, s31  }
0x84: {  	_ =	swait.ge [sflag:s23], $0x2800  }
0x85: {  	s30 =	sshra.s32 s1, $0x2;
	[sflag:s23] =	ssyncset.done $0x0  }
0x86: {  	s1 =	sadd.s32 $0x27D0, s30;
	[sflag:s23] =	ssyncadd.s32 $0xFFFFD800  }
0x87: {  	[tilespmem:s22], [sflag:$0x2] =	stream.indirect.gather.add.f32 [hbm:s0], $0x80, s1, s20, $0xb8;
	[tilespmem:$0x11878] =	vst v63  }
0x88: {  	s1 =	sadd.s32 $0xA0, s30  }
0x89: {  	[tilespmem:s24], [sflag:$0x3] =	stream.indirect.gather [hbm4b:s0+s20], $0x80, s1, s20, $0xb8;
	[tilespmem:$0x11878] =	vst v63  }
0x8a: {  	_ =	swait.ge [sflag:s21], $0x2800  }
0x8b: {  	[sflag:s21] =	ssyncset.done $0x0  }
0x8c: {  	[sflag:s21] =	ssyncadd.s32 $0xFFFFD800  }
0x8d: {  	[tilespmem:s30+$0x4F00] =	vst v0  }
0x8e: {  	_ =	swait.ge [sflag:s25], $0x2800  }
0x8f: {  	[sflag:s25] =	ssyncset.done $0x0  }
0x90: {  	s1 =	sadd.s32 $0x2820, s30;
	[sflag:s25] =	ssyncadd.s32 $0xFFFFD800  }
0x91: {  	[tilespmem:s24], [sflag:$0x3] =	stream.indirect.gather.add.f32 [hbm:s0], $0x80, s1, s20, $0xb8;
	[tilespmem:$0x11878] =	vst v63  }
0x92: {  	s1 =	sadd.s32 $0xF0, s30  }
0x93: {  	[tilespmem:s18], [sflag:$0x1] =	stream.indirect.gather [hbm4b:s0+s20], $0x80, s1, s20, $0xb8;
	[tilespmem:$0x11878] =	vst v63  }
0x94: {  	_ =	swait.ge [sflag:s23], $0x2800  }
0x95: {  	[sflag:s23] =	ssyncset.done $0x0  }
0x96: {  	[sflag:s23] =	ssyncadd.s32 $0xFFFFD800  }
0x97: {  	[tilespmem:s30+$0x4F50] =	vst v0  }
0x98: {  	_ =	swait.ge [sflag:s21], $0x2800  }
0x99: {  	[sflag:s21] =	ssyncset.done $0x0  }
0x9a: {  	s1 =	sadd.s32 $0x2870, s30;
	[sflag:s21] =	ssyncadd.s32 $0xFFFFD800  }
0x9b: {  	[tilespmem:s18], [sflag:$0x1] =	stream.indirect.gather.add.f32 [hbm:s0], $0x80, s1, s20, $0xb8;
	[tilespmem:$0x11878] =	vst v63  }
.Ltmp6:
0x9c: {  	s1 =	sadd.s32 $0x140, s30;
	(pc) =	sbr.rel @p0 .LBB2_10-.Ltmp6, $4  }
0x9d: {  	[tilespmem:s22], [sflag:$0x2] =	stream.indirect.gather [hbm4b:s0+s20], $0x80, s1, s20, $0xb8;
	[tilespmem:$0x11878] =	vst v63  }
0x9e: {  	_ =	swait.ge [sflag:s25], $0x2800  }
0x9f: {  	[sflag:s25] =	ssyncset.done $0x0  }
0xa0: {  	[sflag:s25] =	ssyncadd.s32 $0xFFFFD800  }
0xa1: {  	[tilespmem:s30+$0x4FA0] =	vst v0  }
0xa2: {  	_ =	swait.ge [sflag:s23], $0x2800  }
0xa3: {  	[sflag:s23] =	ssyncset.done $0x0  }
0xa4: {  	s1 =	simm.s32 $0x4E40;
	[sflag:s23] =	ssyncadd.s32 $0xFFFFD800  }
0xa5: {  	[tilespmem:s22], [sflag:$0x2] =	stream.indirect.gather.add.f32 [hbm:s0], $0x80, s1, s20, $0xb8;
	[tilespmem:$0x11878] =	vst v63  }
0xa6: {  	_ =	swait.ge [sflag:s21], $0x2800  }
0xa7: {  	[sflag:s21] =	ssyncset.done $0x0  }
0xa8: {  	[sflag:s21] =	ssyncadd.s32 $0xFFFFD800  }
0xa9: {  	[tilespmem:$0x7570] =	vst v0  }
0xaa: {  	_ =	swait.ge [sflag:s23], $0x2800  }
0xab: {  	s29 =	sadd.s32 $0x1, s29;
	[sflag:s23] =	ssyncset.done $0x0  }
0xac: {  	p0 =	sne.s32 s29, s15;
	[sflag:s23] =	ssyncadd.s32 $0xFFFFD800  }
.Ltmp7:
0xad: {  	[tilespmem:$0x75C0] =	vst v0;
	(pc) =	sbr.rel @p0 .LBB2_1-.Ltmp7, $4  }
0xae: {  	[hbm4b:s14+s2] =	stream.linear.scatter [tilespmem:s28], [sflag:$0x4], $0x2710, $0x38;
	[tilespmem:$0x11878] =	vst v63  }
0xaf: {  	_ =	swait.ge [sflag:s16], $0x2710  }
0xb0: {  	[sflag:s16] =	ssyncset.done $0x0  }
0xb1: {  	[sflag:s16] =	ssyncadd.s32 $0xFFFFD8F0  }
0xb2: {  	_ =	sfence.sel $0x180000  }
0xb3: {  	[bflag:$0x0] =	sbarrier.arrive $0xFFFF  }
0xb4: {  	_ =	strace $0x90000047  }
0xb5: {  	s0 =	stileid.u32;
	[bflag:$0x2] =	sbarrier.arrive $0xFFFF  }
0xb6: {  	p0 =	sne.s32 s0, $0x0;
	s0 =	rddreg [dreg:$0x5]  }
0xb7: {  	s0 =	sadd.s32 @!p0 $0x100000, s0  }
0xb8: {  	[sflag:s0] =	ssyncadd.tile.s32 @!p0 $0x1;
	_ =	shalt  }
.Lfunc_end2:
_tile_overlayer_lowered:
.L_overlay_start_2:
0xb9: {  	(tag) =	ssettag $0x2  }
0xba: {  	s0 =	rddreg [dreg:$0x0];
	s2 =	stileid.u32  }
0xbb: {  	s1 =	rddreg [dreg:$0x1];
	p0 =	sne.s32 s2, $0x0  }
0xbc: {  	s3 =	rddreg [dreg:$0x2];
	[bflag:$0x3] =	sbarrier.arrive $0xFFFF;
	s2 =	simm.s32 @!p0 $0x1C04  }
0xbd: {  	[timem:s3], [sflag:s2] =	dma.local @!p0 [hbm:s0], s1  }
0xbe: {  	s0 =	simm.s32 @!p0 $0x4  }
0xbf: {  	_ =	swait.ge @!p0 [sflag:s0], s1  }
0xc0: {  	s1 =	ssub.s32 @!p0 $0x0, s1;
	[sflag:s0] =	ssyncset.done @!p0 $0x0  }
0xc1: {  	[sflag:s0] =	ssyncadd.s32 @!p0 s1  }
0xc2: {  	[bflag:$0x3] =	sbarrier.arrive $0xFFFF  }
0xc3: {  	_ =	shalt  }

</sc_bundles>
